<compile_context>
chip_gen: v7x
topology: tpu7x:2x2x1
jax: 0.10.2.dev20260603
libtpu: 0.0.44.dev20260713+nightly
codegen_flags: <defaults>
</compile_context>

<pallas_src>
import functools

import jax
import jax.numpy as jnp
from jax import lax
from jax.experimental import pallas as pl
from jax.experimental.pallas import tpu as pltpu
from jax.experimental.pallas import tpu_sc as plsc

IN_F = 4096
COLS = 256
HALF = 128
NSUB = 16
NCORE = 2
CHUNK = 128
LANES = 16
VPR = HALF // LANES


def _sc_spmm(x0, x1, rows, cols, vals):
    nnz_pad = vals.shape[0]
    nnz_per_sub = nnz_pad // NSUB
    n_chunks = nnz_per_sub // CHUNK
    rows_per_sub = IN_F // NSUB

    mesh = plsc.VectorSubcoreMesh(core_axis_name="c", subcore_axis_name="s",
                                  num_cores=NCORE, num_subcores=NSUB)

    @functools.partial(
        pl.kernel,
        out_type=(jax.ShapeDtypeStruct((IN_F, HALF), jnp.float32),
                  jax.ShapeDtypeStruct((IN_F, HALF), jnp.float32)),
        mesh=mesh,
        scratch_types=[
            pltpu.VMEM((CHUNK,), jnp.int32),
            pltpu.VMEM((CHUNK,), jnp.int32),
            pltpu.VMEM((CHUNK,), jnp.float32),
            pltpu.VMEM((CHUNK, HALF), jnp.float32),
            pltpu.VMEM_SHARED((IN_F, HALF), jnp.float32),
            pltpu.SemaphoreType.DMA,
            pltpu.SemaphoreType.DMA,
        ],
    )
    def k(x0_hbm, x1_hbm, rows_hbm, cols_hbm, vals_hbm, out0_hbm, out1_hbm,
          cidx_v, ridx_v, vals_v, gbuf, acc_sh, sem, gsem):
        cid = lax.axis_index("c")
        sid = lax.axis_index("s")
        base = sid * nnz_per_sub
        r0 = sid * rows_per_sub

        def zbody(i, _):
            for j in range(VPR):
                gbuf[i, pl.ds(j * LANES, LANES)] = jnp.zeros((LANES,),
                                                             jnp.float32)
            return 0
        lax.fori_loop(0, CHUNK, zbody, 0)
        pltpu.sync_copy(gbuf, acc_sh.at[pl.ds(r0, CHUNK)])
        pltpu.sync_copy(gbuf, acc_sh.at[pl.ds(r0 + CHUNK, CHUNK)])
        plsc.subcore_barrier()

        def chunk_body(g, _):
            off = base + g * CHUNK
            cp1 = pltpu.async_copy(cols_hbm.at[pl.ds(off, CHUNK)], cidx_v, sem)
            cp2 = pltpu.async_copy(rows_hbm.at[pl.ds(off, CHUNK)], ridx_v, sem)
            cp3 = pltpu.async_copy(vals_hbm.at[pl.ds(off, CHUNK)], vals_v, sem)
            cp1.wait()
            cp2.wait()
            cp3.wait()

            @pl.when(cid == 0)
            def _():
                pltpu.async_copy(x0_hbm.at[cidx_v], gbuf, gsem).wait()

            @pl.when(cid == 1)
            def _():
                pltpu.async_copy(x1_hbm.at[cidx_v], gbuf, gsem).wait()

            def mul_body(kk, _):
                vv16 = vals_v[pl.ds(kk * LANES, LANES)]
                for l in range(LANES):
                    vv = jnp.full((LANES,), vv16[l], jnp.float32)
                    row = kk * LANES + l
                    for j in range(VPR):
                        sl = pl.ds(j * LANES, LANES)
                        gbuf[row, sl] = gbuf[row, sl] * vv
                return 0
            lax.fori_loop(0, CHUNK // LANES, mul_body, 0)

            pltpu.sync_copy(gbuf, acc_sh.at[ridx_v], add=True)
            return 0
        lax.fori_loop(0, n_chunks, chunk_body, 0)
        plsc.subcore_barrier()

        @pl.when(cid == 0)
        def _():
            pltpu.sync_copy(acc_sh.at[pl.ds(r0, rows_per_sub)],
                            out0_hbm.at[pl.ds(r0, rows_per_sub)])

        @pl.when(cid == 1)
        def _():
            pltpu.sync_copy(acc_sh.at[pl.ds(r0, rows_per_sub)],
                            out1_hbm.at[pl.ds(r0, rows_per_sub)])

    return k(x0, x1, rows, cols, vals)


def kernel(x, vals, rows, cols):
    nnz = vals.shape[0]
    grp = NSUB * CHUNK
    nnz_pad = ((nnz + grp - 1) // grp) * grp
    pad = nnz_pad - nnz
    rows_p = jnp.pad(rows, (0, pad))
    cols_p = jnp.pad(cols, (0, pad))
    vals_p = jnp.pad(vals, (0, pad))
    x0 = x[:, :HALF]
    x1 = x[:, HALF:]
    out0, out1 = _sc_spmm(x0, x1, rows_p, cols_p, vals_p)
    return jnp.concatenate([out0, out1], axis=1)

# --- scband reference (transcript-rebuilt; emitter-appended) ---
"""Pipeline reference for scband-sparse-linear-27573690040594 (READ-ONLY COPY).

The authoritative reference and input builder live on the scoring server;
editing this copy changes nothing except your own understanding.
"""

import jax, jax.numpy as jnp
import numpy as np

IN_FEATURES = 4096
OUT_FEATURES = 4096
NNZ = 167772  # 4096*4096*0.01
COLS = 256

def setup_inputs(seed: int = 0) -> dict:
    key = jax.random.key(seed)
    k1, k2, k3, k4 = jax.random.split(key, 4)
    # COO indices of the sparse weight [in_features, out_features]
    rows = jax.random.randint(k1, (NNZ,), 0, IN_FEATURES, dtype=jnp.int32)
    cols = jax.random.randint(k2, (NNZ,), 0, OUT_FEATURES, dtype=jnp.int32)
    # weight values: torch.randn(sparse_indices.shape[1])
    vals = jax.random.normal(k3, (NNZ,), dtype=jnp.float32)
    # forward input x: sparse.mm(weight[in,out], x) requires x: [out_features, COLS]
    x = jax.random.normal(k4, (OUT_FEATURES, COLS), dtype=jnp.float32)
    return {"x": x, "vals": vals, "rows": rows, "cols": cols}

def reference(x, vals, rows, cols):
    # torch.sparse.mm(W, x): out[r, :] += W[r, c] * x[c, :] for each nnz (r, c)
    gathered = jnp.take(x, cols, axis=0)          # [NNZ, COLS] gather
    contrib = vals[:, None] * gathered            # [NNZ, COLS]
    out = jax.ops.segment_sum(contrib, rows, num_segments=IN_FEATURES)  # scatter-add
    return out  # [IN_FEATURES, COLS]

if __name__ == "__main__":
    import jax
    _d = setup_inputs()
    print(jax.jit(kernel)(*tuple(_d.values())))

</pallas_src>

<mosaic_0001>
#map = affine_map<(d0, d1) -> (0, 0)>
#map1 = affine_map<(d0, d1) -> (0)>
module attributes {stable_mosaic.version = 14 : i64} {
  func.func @k(%arg0: i32, %arg1: i32, %arg2: memref<4096x128xf32, #tpu.memory_space<hbm>>, %arg3: memref<4096x128xf32, #tpu.memory_space<hbm>>, %arg4: memref<167936xi32, #tpu.memory_space<hbm>>, %arg5: memref<167936xi32, #tpu.memory_space<hbm>>, %arg6: memref<167936xf32, #tpu.memory_space<hbm>>, %arg7: memref<4096x128xf32, #tpu.memory_space<hbm>>, %arg8: memref<4096x128xf32, #tpu.memory_space<hbm>>, %arg9: memref<128xi32, #tpu.memory_space<vmem>>, %arg10: memref<128xi32, #tpu.memory_space<vmem>>, %arg11: memref<128xf32, #tpu.memory_space<vmem>>, %arg12: memref<128x128xf32, #tpu.memory_space<vmem>>, %arg13: memref<4096x128xf32, #tpu.memory_space<vmem_shared>>, %arg14: memref<!tpu.dma_semaphore, #tpu.memory_space<semaphore_mem>>, %arg15: memref<!tpu.dma_semaphore, #tpu.memory_space<semaphore_mem>>) attributes {dimension_semantics = [#tpu.dimension_semantics<core_parallel>, #tpu.dimension_semantics<subcore_parallel>], iteration_bounds = array<i64: 2, 16>, scalar_prefetch = 0 : i64, scratch_operands = 7 : i64, tpu.core_type = #tpu.core_type<sc_vector_subcore>, window_params = [{transform_indices = #map}, {transform_indices = #map}, {transform_indices = #map1}, {transform_indices = #map1}, {transform_indices = #map1}, {transform_indices = #map}, {transform_indices = #map}]} {
    %mul3A = arith.constant 10496 : i32
    %mul3A_0 = arith.muli %arg1, %mul3A : i32
    %mul3A_1 = arith.constant 256 : i32
    %mul3A_2 = arith.muli %arg1, %mul3A_1 : i32
    %scan3A = arith.constant 0 : i32
    %scan3A_3 = arith.constant 0 : i32
    %scan3A_4 = arith.constant 128 : i32
    %scan3A_5 = arith.addi %scan3A_3, %scan3A_4 : i32
    %scan3A_6 = arith.constant 1 : i32
    %scan3A_7 = scf.for %scan3A_25 = %scan3A_3 to %scan3A_5 step %scan3A_6 iter_args(%scan3A_26 = %scan3A) -> (i32)  : i32 {
      %broadcast_in_dim3A = arith.constant 0.000000e+00 : f32
      %broadcast_in_dim3A_27 = vector.broadcast %broadcast_in_dim3A : f32 to vector<16xf32>
      %swap3A = arith.index_cast %scan3A_25 : i32 to index
      %swap3A_28 = arith.constant 0 : index
      %swap3A_29 = tpu.vector_load %arg12[%swap3A, %swap3A_28] {strides = array<i32>} : memref<128x128xf32, #tpu.memory_space<vmem>>, vector<1x16xf32>,
      %swap3A_30 = vector.shape_cast %swap3A_29 : vector<1x16xf32> to vector<16xf32>
      %swap3A_31 = vector.shape_cast %broadcast_in_dim3A_27 : vector<16xf32> to vector<1x16xf32>
      tpu.vector_store %arg12[%swap3A, %swap3A_28], %swap3A_31 {strides = array<i32>} : memref<128x128xf32, #tpu.memory_space<vmem>>, vector<1x16xf32>,
      %broadcast_in_dim3A_32 = arith.constant 0.000000e+00 : f32
      %broadcast_in_dim3A_33 = vector.broadcast %broadcast_in_dim3A_32 : f32 to vector<16xf32>
      %swap3A_34 = arith.index_cast %scan3A_25 : i32 to index
      %swap3A_35 = arith.constant 16 : index
      %swap3A_36 = tpu.vector_load %arg12[%swap3A_34, %swap3A_35] {strides = array<i32>} : memref<128x128xf32, #tpu.memory_space<vmem>>, vector<1x16xf32>,
      %swap3A_37 = vector.shape_cast %swap3A_36 : vector<1x16xf32> to vector<16xf32>
      %swap3A_38 = vector.shape_cast %broadcast_in_dim3A_33 : vector<16xf32> to vector<1x16xf32>
      tpu.vector_store %arg12[%swap3A_34, %swap3A_35], %swap3A_38 {strides = array<i32>} : memref<128x128xf32, #tpu.memory_space<vmem>>, vector<1x16xf32>,
      %broadcast_in_dim3A_39 = arith.constant 0.000000e+00 : f32
      %broadcast_in_dim3A_40 = vector.broadcast %broadcast_in_dim3A_39 : f32 to vector<16xf32>
      %swap3A_41 = arith.index_cast %scan3A_25 : i32 to index
      %swap3A_42 = arith.constant 32 : index
      %swap3A_43 = tpu.vector_load %arg12[%swap3A_41, %swap3A_42] {strides = array<i32>} : memref<128x128xf32, #tpu.memory_space<vmem>>, vector<1x16xf32>,
      %swap3A_44 = vector.shape_cast %swap3A_43 : vector<1x16xf32> to vector<16xf32>
      %swap3A_45 = vector.shape_cast %broadcast_in_dim3A_40 : vector<16xf32> to vector<1x16xf32>
      tpu.vector_store %arg12[%swap3A_41, %swap3A_42], %swap3A_45 {strides = array<i32>} : memref<128x128xf32, #tpu.memory_space<vmem>>, vector<1x16xf32>,
      %broadcast_in_dim3A_46 = arith.constant 0.000000e+00 : f32
      %broadcast_in_dim3A_47 = vector.broadcast %broadcast_in_dim3A_46 : f32 to vector<16xf32>
      %swap3A_48 = arith.index_cast %scan3A_25 : i32 to index
      %swap3A_49 = arith.constant 48 : index
      %swap3A_50 = tpu.vector_load %arg12[%swap3A_48, %swap3A_49] {strides = array<i32>} : memref<128x128xf32, #tpu.memory_space<vmem>>, vector<1x16xf32>,
      %swap3A_51 = vector.shape_cast %swap3A_50 : vector<1x16xf32> to vector<16xf32>
      %swap3A_52 = vector.shape_cast %broadcast_in_dim3A_47 : vector<16xf32> to vector<1x16xf32>
      tpu.vector_store %arg12[%swap3A_48, %swap3A_49], %swap3A_52 {strides = array<i32>} : memref<128x128xf32, #tpu.memory_space<vmem>>, vector<1x16xf32>,
      %broadcast_in_dim3A_53 = arith.constant 0.000000e+00 : f32
      %broadcast_in_dim3A_54 = vector.broadcast %broadcast_in_dim3A_53 : f32 to vector<16xf32>
      %swap3A_55 = arith.index_cast %scan3A_25 : i32 to index
      %swap3A_56 = arith.constant 64 : index
      %swap3A_57 = tpu.vector_load %arg12[%swap3A_55, %swap3A_56] {strides = array<i32>} : memref<128x128xf32, #tpu.memory_space<vmem>>, vector<1x16xf32>,
      %swap3A_58 = vector.shape_cast %swap3A_57 : vector<1x16xf32> to vector<16xf32>
      %swap3A_59 = vector.shape_cast %broadcast_in_dim3A_54 : vector<16xf32> to vector<1x16xf32>
      tpu.vector_store %arg12[%swap3A_55, %swap3A_56], %swap3A_59 {strides = array<i32>} : memref<128x128xf32, #tpu.memory_space<vmem>>, vector<1x16xf32>,
      %broadcast_in_dim3A_60 = arith.constant 0.000000e+00 : f32
      %broadcast_in_dim3A_61 = vector.broadcast %broadcast_in_dim3A_60 : f32 to vector<16xf32>
      %swap3A_62 = arith.index_cast %scan3A_25 : i32 to index
      %swap3A_63 = arith.constant 80 : index
      %swap3A_64 = tpu.vector_load %arg12[%swap3A_62, %swap3A_63] {strides = array<i32>} : memref<128x128xf32, #tpu.memory_space<vmem>>, vector<1x16xf32>,
      %swap3A_65 = vector.shape_cast %swap3A_64 : vector<1x16xf32> to vector<16xf32>
      %swap3A_66 = vector.shape_cast %broadcast_in_dim3A_61 : vector<16xf32> to vector<1x16xf32>
      tpu.vector_store %arg12[%swap3A_62, %swap3A_63], %swap3A_66 {strides = array<i32>} : memref<128x128xf32, #tpu.memory_space<vmem>>, vector<1x16xf32>,
      %broadcast_in_dim3A_67 = arith.constant 0.000000e+00 : f32
      %broadcast_in_dim3A_68 = vector.broadcast %broadcast_in_dim3A_67 : f32 to vector<16xf32>
      %swap3A_69 = arith.index_cast %scan3A_25 : i32 to index
      %swap3A_70 = arith.constant 96 : index
      %swap3A_71 = tpu.vector_load %arg12[%swap3A_69, %swap3A_70] {strides = array<i32>} : memref<128x128xf32, #tpu.memory_space<vmem>>, vector<1x16xf32>,
      %swap3A_72 = vector.shape_cast %swap3A_71 : vector<1x16xf32> to vector<16xf32>
      %swap3A_73 = vector.shape_cast %broadcast_in_dim3A_68 : vector<16xf32> to vector<1x16xf32>
      tpu.vector_store %arg12[%swap3A_69, %swap3A_70], %swap3A_73 {strides = array<i32>} : memref<128x128xf32, #tpu.memory_space<vmem>>, vector<1x16xf32>,
      %broadcast_in_dim3A_74 = arith.constant 0.000000e+00 : f32
      %broadcast_in_dim3A_75 = vector.broadcast %broadcast_in_dim3A_74 : f32 to vector<16xf32>
      %swap3A_76 = arith.index_cast %scan3A_25 : i32 to index
      %swap3A_77 = arith.constant 112 : index
      %swap3A_78 = tpu.vector_load %arg12[%swap3A_76, %swap3A_77] {strides = array<i32>} : memref<128x128xf32, #tpu.memory_space<vmem>>, vector<1x16xf32>,
      %swap3A_79 = vector.shape_cast %swap3A_78 : vector<1x16xf32> to vector<16xf32>
      %swap3A_80 = vector.shape_cast %broadcast_in_dim3A_75 : vector<16xf32> to vector<1x16xf32>
      tpu.vector_store %arg12[%swap3A_76, %swap3A_77], %swap3A_80 {strides = array<i32>} : memref<128x128xf32, #tpu.memory_space<vmem>>, vector<1x16xf32>,
      %scan3A_81 = arith.constant 0 : i32
      scf.yield %scan3A_81 : i32
    }
    %scan3A_8 = arith.constant 128 : i32
    "tpu.region"() ({
      %run_scoped3A = tpu.sem_alloc : memref<!tpu.dma_semaphore, #tpu.memory_space<semaphore_mem>>
      %dma_start3A = arith.constant 0 : i32
      %dma_start3A_25 = tpu.memref_slice %arg13[%mul3A_2, %dma_start3A] : memref<4096x128xf32, #tpu.memory_space<vmem_shared>> -> memref<128x128xf32, #tpu.memory_space<vmem_shared>>
      %dma_start3A_26 = arith.constant 0 : i32
      %dma_start3A_27 = tpu.memref_slice %arg13[%mul3A_2, %dma_start3A_26] : memref<4096x128xf32, #tpu.memory_space<vmem_shared>> -> memref<128x128xf32, #tpu.memory_space<vmem_shared>>
      tpu.enqueue_dma source(%arg12 : memref<128x128xf32, #tpu.memory_space<vmem>>) target(%dma_start3A_27 : memref<128x128xf32, #tpu.memory_space<vmem_shared>>) target_semaphore(%run_scoped3A : memref<!tpu.dma_semaphore, #tpu.memory_space<semaphore_mem>>)
      %dma_wait3A = arith.constant 0 : i32
      %dma_wait3A_28 = tpu.memref_slice %arg13[%mul3A_2, %dma_wait3A] : memref<4096x128xf32, #tpu.memory_space<vmem_shared>> -> memref<128x128xf32, #tpu.memory_space<vmem_shared>>
      %dma_wait3A_29 = arith.constant 0 : i32
      %dma_wait3A_30 = tpu.memref_slice %arg13[%mul3A_2, %dma_wait3A_29] : memref<4096x128xf32, #tpu.memory_space<vmem_shared>> -> memref<128x128xf32, #tpu.memory_space<vmem_shared>>
      tpu.wait_dma2 semaphore(%run_scoped3A : memref<!tpu.dma_semaphore, #tpu.memory_space<semaphore_mem>>) src(%arg12 : memref<128x128xf32, #tpu.memory_space<vmem>>) dst(%dma_wait3A_30 : memref<128x128xf32, #tpu.memory_space<vmem_shared>>)
      tpu.yield
    }) : () -> ()
    %add3A = arith.constant 128 : i32
    %add3A_9 = arith.addi %mul3A_2, %add3A : i32
    "tpu.region"() ({
      %run_scoped3A = tpu.sem_alloc : memref<!tpu.dma_semaphore, #tpu.memory_space<semaphore_mem>>
      %dma_start3A = arith.constant 0 : i32
      %dma_start3A_25 = tpu.memref_slice %arg13[%add3A_9, %dma_start3A] : memref<4096x128xf32, #tpu.memory_space<vmem_shared>> -> memref<128x128xf32, #tpu.memory_space<vmem_shared>>
      %dma_start3A_26 = arith.constant 0 : i32
      %dma_start3A_27 = tpu.memref_slice %arg13[%add3A_9, %dma_start3A_26] : memref<4096x128xf32, #tpu.memory_space<vmem_shared>> -> memref<128x128xf32, #tpu.memory_space<vmem_shared>>
      tpu.enqueue_dma source(%arg12 : memref<128x128xf32, #tpu.memory_space<vmem>>) target(%dma_start3A_27 : memref<128x128xf32, #tpu.memory_space<vmem_shared>>) target_semaphore(%run_scoped3A : memref<!tpu.dma_semaphore, #tpu.memory_space<semaphore_mem>>)
      %dma_wait3A = arith.constant 0 : i32
      %dma_wait3A_28 = tpu.memref_slice %arg13[%add3A_9, %dma_wait3A] : memref<4096x128xf32, #tpu.memory_space<vmem_shared>> -> memref<128x128xf32, #tpu.memory_space<vmem_shared>>
      %dma_wait3A_29 = arith.constant 0 : i32
      %dma_wait3A_30 = tpu.memref_slice %arg13[%add3A_9, %dma_wait3A_29] : memref<4096x128xf32, #tpu.memory_space<vmem_shared>> -> memref<128x128xf32, #tpu.memory_space<vmem_shared>>
      tpu.wait_dma2 semaphore(%run_scoped3A : memref<!tpu.dma_semaphore, #tpu.memory_space<semaphore_mem>>) src(%arg12 : memref<128x128xf32, #tpu.memory_space<vmem>>) dst(%dma_wait3A_30 : memref<128x128xf32, #tpu.memory_space<vmem_shared>>)
      tpu.yield
    }) : () -> ()
    %barrier3A = arith.constant 0 : index
    tpu.barrier barrier_id(%barrier3A)
    %scan3A_10 = arith.constant 0 : i32
    %scan3A_11 = arith.constant 0 : i32
    %scan3A_12 = arith.constant 82 : i32
    %scan3A_13 = arith.addi %scan3A_11, %scan3A_12 : i32
    %scan3A_14 = arith.constant 1 : i32
    %scan3A_15 = scf.for %scan3A_25 = %scan3A_11 to %scan3A_13 step %scan3A_14 iter_args(%scan3A_26 = %scan3A_10) -> (i32)  : i32 {
      %mul3A_27 = arith.constant 128 : i32
      %mul3A_28 = arith.muli %scan3A_25, %mul3A_27 : i32
      %add3A_29 = arith.addi %mul3A_0, %mul3A_28 : i32
      %dma_start3A = tpu.memref_slice %arg5[%add3A_29] : memref<167936xi32, #tpu.memory_space<hbm>> -> memref<128xi32, #tpu.memory_space<hbm>>
      %dma_start3A_30 = tpu.memref_slice %arg5[%add3A_29] : memref<167936xi32, #tpu.memory_space<hbm>> -> memref<128xi32, #tpu.memory_space<hbm>>
      tpu.enqueue_dma source(%dma_start3A_30 : memref<128xi32, #tpu.memory_space<hbm>>) target(%arg9 : memref<128xi32, #tpu.memory_space<vmem>>) target_semaphore(%arg14 : memref<!tpu.dma_semaphore, #tpu.memory_space<semaphore_mem>>)
      %dma_start3A_31 = tpu.memref_slice %arg4[%add3A_29] : memref<167936xi32, #tpu.memory_space<hbm>> -> memref<128xi32, #tpu.memory_space<hbm>>
      %dma_start3A_32 = tpu.memref_slice %arg4[%add3A_29] : memref<167936xi32, #tpu.memory_space<hbm>> -> memref<128xi32, #tpu.memory_space<hbm>>
      tpu.enqueue_dma source(%dma_start3A_32 : memref<128xi32, #tpu.memory_space<hbm>>) target(%arg10 : memref<128xi32, #tpu.memory_space<vmem>>) target_semaphore(%arg14 : memref<!tpu.dma_semaphore, #tpu.memory_space<semaphore_mem>>)
      %dma_start3A_33 = tpu.memref_slice %arg6[%add3A_29] : memref<167936xf32, #tpu.memory_space<hbm>> -> memref<128xf32, #tpu.memory_space<hbm>>
      %dma_start3A_34 = tpu.memref_slice %arg6[%add3A_29] : memref<167936xf32, #tpu.memory_space<hbm>> -> memref<128xf32, #tpu.memory_space<hbm>>
      tpu.enqueue_dma source(%dma_start3A_34 : memref<128xf32, #tpu.memory_space<hbm>>) target(%arg11 : memref<128xf32, #tpu.memory_space<vmem>>) target_semaphore(%arg14 : memref<!tpu.dma_semaphore, #tpu.memory_space<semaphore_mem>>)
      %dma_wait3A = tpu.memref_slice %arg5[%add3A_29] : memref<167936xi32, #tpu.memory_space<hbm>> -> memref<128xi32, #tpu.memory_space<hbm>>
      %dma_wait3A_35 = tpu.memref_slice %arg5[%add3A_29] : memref<167936xi32, #tpu.memory_space<hbm>> -> memref<128xi32, #tpu.memory_space<hbm>>
      tpu.wait_dma2 semaphore(%arg14 : memref<!tpu.dma_semaphore, #tpu.memory_space<semaphore_mem>>) src(%dma_wait3A_35 : memref<128xi32, #tpu.memory_space<hbm>>) dst(%arg9 : memref<128xi32, #tpu.memory_space<vmem>>)
      %dma_wait3A_36 = tpu.memref_slice %arg4[%add3A_29] : memref<167936xi32, #tpu.memory_space<hbm>> -> memref<128xi32, #tpu.memory_space<hbm>>
      %dma_wait3A_37 = tpu.memref_slice %arg4[%add3A_29] : memref<167936xi32, #tpu.memory_space<hbm>> -> memref<128xi32, #tpu.memory_space<hbm>>
      tpu.wait_dma2 semaphore(%arg14 : memref<!tpu.dma_semaphore, #tpu.memory_space<semaphore_mem>>) src(%dma_wait3A_37 : memref<128xi32, #tpu.memory_space<hbm>>) dst(%arg10 : memref<128xi32, #tpu.memory_space<vmem>>)
      %dma_wait3A_38 = tpu.memref_slice %arg6[%add3A_29] : memref<167936xf32, #tpu.memory_space<hbm>> -> memref<128xf32, #tpu.memory_space<hbm>>
      %dma_wait3A_39 = tpu.memref_slice %arg6[%add3A_29] : memref<167936xf32, #tpu.memory_space<hbm>> -> memref<128xf32, #tpu.memory_space<hbm>>
      tpu.wait_dma2 semaphore(%arg14 : memref<!tpu.dma_semaphore, #tpu.memory_space<semaphore_mem>>) src(%dma_wait3A_39 : memref<128xf32, #tpu.memory_space<hbm>>) dst(%arg11 : memref<128xf32, #tpu.memory_space<vmem>>)
      %eq3A_40 = arith.constant 0 : i32
      %eq3A_41 = arith.cmpi eq, %arg0, %eq3A_40 : i32
      %convert_element_type3A_42 = arith.extui %eq3A_41 : i1 to i32
      %cond3A_43 = arith.constant 0 : i32
      %cond3A_44 = arith.cmpi ne, %convert_element_type3A_42, %cond3A_43 : i32
      scf.if %cond3A_44 {
        %dma_start3A_58 = arith.constant 0 : i32
        %dma_start3A_59 = arith.constant 0 : i32
        %dma_start3A_60 = tpu.memref_slice %arg2[%dma_start3A_58, %dma_start3A_59] : memref<4096x128xf32, #tpu.memory_space<hbm>> -> memref<4096x128xf32, #tpu.memory_space<hbm>>
        tpu.enqueue_indirect_dma source(%dma_start3A_60 : memref<4096x128xf32, #tpu.memory_space<hbm>>) target(%arg12 : memref<128x128xf32, #tpu.memory_space<vmem>>) offsets(%arg9 : memref<128xi32, #tpu.memory_space<vmem>>) semaphore(%arg15 : memref<!tpu.dma_semaphore, #tpu.memory_space<semaphore_mem>>)
        %dma_wait3A_61 = arith.constant 0 : i32
        %dma_wait3A_62 = arith.constant 0 : i32
        %dma_wait3A_63 = tpu.memref_slice %arg2[%dma_wait3A_61, %dma_wait3A_62] : memref<4096x128xf32, #tpu.memory_space<hbm>> -> memref<4096x128xf32, #tpu.memory_space<hbm>>
        tpu.wait_indirect_dma semaphore(%arg15 : memref<!tpu.dma_semaphore, #tpu.memory_space<semaphore_mem>>) src(%dma_wait3A_63 : memref<4096x128xf32, #tpu.memory_space<hbm>>) dst(%arg12 : memref<128x128xf32, #tpu.memory_space<vmem>>)
      } else {
      }
      %eq3A_45 = arith.constant 1 : i32
      %eq3A_46 = arith.cmpi eq, %arg0, %eq3A_45 : i32
      %convert_element_type3A_47 = arith.extui %eq3A_46 : i1 to i32
      %cond3A_48 = arith.constant 0 : i32
      %cond3A_49 = arith.cmpi ne, %convert_element_type3A_47, %cond3A_48 : i32
      scf.if %cond3A_49 {
        %dma_start3A_58 = arith.constant 0 : i32
        %dma_start3A_59 = arith.constant 0 : i32
        %dma_start3A_60 = tpu.memref_slice %arg3[%dma_start3A_58, %dma_start3A_59] : memref<4096x128xf32, #tpu.memory_space<hbm>> -> memref<4096x128xf32, #tpu.memory_space<hbm>>
        tpu.enqueue_indirect_dma source(%dma_start3A_60 : memref<4096x128xf32, #tpu.memory_space<hbm>>) target(%arg12 : memref<128x128xf32, #tpu.memory_space<vmem>>) offsets(%arg9 : memref<128xi32, #tpu.memory_space<vmem>>) semaphore(%arg15 : memref<!tpu.dma_semaphore, #tpu.memory_space<semaphore_mem>>)
        %dma_wait3A_61 = arith.constant 0 : i32
        %dma_wait3A_62 = arith.constant 0 : i32
        %dma_wait3A_63 = tpu.memref_slice %arg3[%dma_wait3A_61, %dma_wait3A_62] : memref<4096x128xf32, #tpu.memory_space<hbm>> -> memref<4096x128xf32, #tpu.memory_space<hbm>>
        tpu.wait_indirect_dma semaphore(%arg15 : memref<!tpu.dma_semaphore, #tpu.memory_space<semaphore_mem>>) src(%dma_wait3A_63 : memref<4096x128xf32, #tpu.memory_space<hbm>>) dst(%arg12 : memref<128x128xf32, #tpu.memory_space<vmem>>)
      } else {
      }
      %scan3A_50 = arith.constant 0 : i32
      %scan3A_51 = arith.constant 0 : i32
      %scan3A_52 = arith.constant 8 : i32
      %scan3A_53 = arith.addi %scan3A_51, %scan3A_52 : i32
      %scan3A_54 = arith.constant 1 : i32
      %scan3A_55 = scf.for %scan3A_58 = %scan3A_51 to %scan3A_53 step %scan3A_54 iter_args(%scan3A_59 = %scan3A_50) -> (i32)  : i32 {
        %mul3A_60 = arith.constant 16 : i32
        %mul3A_61 = arith.muli %scan3A_58, %mul3A_60 : i32
        %get3A = arith.index_cast %mul3A_61 : i32 to index
        %get3A_62 = tpu.vector_load %arg11[%get3A] {strides = array<i32>} : memref<128xf32, #tpu.memory_space<vmem>>, vector<16xf32>,
        %get3A_63 = vector.shape_cast %get3A_62 : vector<16xf32> to vector<16xf32>
        %slice3A = vector.extract_strided_slice %get3A_63 {offsets = [0], sizes = [1], strides = [1]} : vector<16xf32> to vector<1xf32>
        %squeeze3A = vector.extract %slice3A[0] : f32 from vector<1xf32>
        %broadcast_in_dim3A = vector.broadcast %squeeze3A : f32 to vector<16xf32>
        %mul3A_64 = arith.constant 16 : i32
        %mul3A_65 = arith.muli %scan3A_58, %mul3A_64 : i32
        %add3A_66 = arith.constant 0 : i32
        %add3A_67 = arith.addi %mul3A_65, %add3A_66 : i32
        %get3A_68 = arith.index_cast %add3A_67 : i32 to index
        %get3A_69 = arith.constant 0 : index
        %get3A_70 = tpu.vector_load %arg12[%get3A_68, %get3A_69] {strides = array<i32>} : memref<128x128xf32, #tpu.memory_space<vmem>>, vector<1x16xf32>,
        %get3A_71 = vector.shape_cast %get3A_70 : vector<1x16xf32> to vector<16xf32>
        %mul3A_72 = arith.mulf %get3A_71, %broadcast_in_dim3A : vector<16xf32>
        %swap3A = arith.index_cast %add3A_67 : i32 to index
        %swap3A_73 = arith.constant 0 : index
        %swap3A_74 = tpu.vector_load %arg12[%swap3A, %swap3A_73] {strides = array<i32>} : memref<128x128xf32, #tpu.memory_space<vmem>>, vector<1x16xf32>,
        %swap3A_75 = vector.shape_cast %swap3A_74 : vector<1x16xf32> to vector<16xf32>
        %swap3A_76 = vector.shape_cast %mul3A_72 : vector<16xf32> to vector<1x16xf32>
        tpu.vector_store %arg12[%swap3A, %swap3A_73], %swap3A_76 {strides = array<i32>} : memref<128x128xf32, #tpu.memory_space<vmem>>, vector<1x16xf32>,
        %get3A_77 = arith.index_cast %add3A_67 : i32 to index
        %get3A_78 = arith.constant 16 : index
        %get3A_79 = tpu.vector_load %arg12[%get3A_77, %get3A_78] {strides = array<i32>} : memref<128x128xf32, #tpu.memory_space<vmem>>, vector<1x16xf32>,
        %get3A_80 = vector.shape_cast %get3A_79 : vector<1x16xf32> to vector<16xf32>
        %mul3A_81 = arith.mulf %get3A_80, %broadcast_in_dim3A : vector<16xf32>
        %swap3A_82 = arith.index_cast %add3A_67 : i32 to index
        %swap3A_83 = arith.constant 16 : index
        %swap3A_84 = tpu.vector_load %arg12[%swap3A_82, %swap3A_83] {strides = array<i32>} : memref<128x128xf32, #tpu.memory_space<vmem>>, vector<1x16xf32>,
        %swap3A_85 = vector.shape_cast %swap3A_84 : vector<1x16xf32> to vector<16xf32>
        %swap3A_86 = vector.shape_cast %mul3A_81 : vector<16xf32> to vector<1x16xf32>
        tpu.vector_store %arg12[%swap3A_82, %swap3A_83], %swap3A_86 {strides = array<i32>} : memref<128x128xf32, #tpu.memory_space<vmem>>, vector<1x16xf32>,
        %get3A_87 = arith.index_cast %add3A_67 : i32 to index
        %get3A_88 = arith.constant 32 : index
        %get3A_89 = tpu.vector_load %arg12[%get3A_87, %get3A_88] {strides = array<i32>} : memref<128x128xf32, #tpu.memory_space<vmem>>, vector<1x16xf32>,
        %get3A_90 = vector.shape_cast %get3A_89 : vector<1x16xf32> to vector<16xf32>
        %mul3A_91 = arith.mulf %get3A_90, %broadcast_in_dim3A : vector<16xf32>
        %swap3A_92 = arith.index_cast %add3A_67 : i32 to index
        %swap3A_93 = arith.constant 32 : index
        %swap3A_94 = tpu.vector_load %arg12[%swap3A_92, %swap3A_93] {strides = array<i32>} : memref<128x128xf32, #tpu.memory_space<vmem>>, vector<1x16xf32>,
        %swap3A_95 = vector.shape_cast %swap3A_94 : vector<1x16xf32> to vector<16xf32>
        %swap3A_96 = vector.shape_cast %mul3A_91 : vector<16xf32> to vector<1x16xf32>
        tpu.vector_store %arg12[%swap3A_92, %swap3A_93], %swap3A_96 {strides = array<i32>} : memref<128x128xf32, #tpu.memory_space<vmem>>, vector<1x16xf32>,
        %get3A_97 = arith.index_cast %add3A_67 : i32 to index
        %get3A_98 = arith.constant 48 : index
        %get3A_99 = tpu.vector_load %arg12[%get3A_97, %get3A_98] {strides = array<i32>} : memref<128x128xf32, #tpu.memory_space<vmem>>, vector<1x16xf32>,
        %get3A_100 = vector.shape_cast %get3A_99 : vector<1x16xf32> to vector<16xf32>
        %mul3A_101 = arith.mulf %get3A_100, %broadcast_in_dim3A : vector<16xf32>
        %swap3A_102 = arith.index_cast %add3A_67 : i32 to index
        %swap3A_103 = arith.constant 48 : index
        %swap3A_104 = tpu.vector_load %arg12[%swap3A_102, %swap3A_103] {strides = array<i32>} : memref<128x128xf32, #tpu.memory_space<vmem>>, vector<1x16xf32>,
        %swap3A_105 = vector.shape_cast %swap3A_104 : vector<1x16xf32> to vector<16xf32>
        %swap3A_106 = vector.shape_cast %mul3A_101 : vector<16xf32> to vector<1x16xf32>
        tpu.vector_store %arg12[%swap3A_102, %swap3A_103], %swap3A_106 {strides = array<i32>} : memref<128x128xf32, #tpu.memory_space<vmem>>, vector<1x16xf32>,
        %get3A_107 = arith.index_cast %add3A_67 : i32 to index
        %get3A_108 = arith.constant 64 : index
        %get3A_109 = tpu.vector_load %arg12[%get3A_107, %get3A_108] {strides = array<i32>} : memref<128x128xf32, #tpu.memory_space<vmem>>, vector<1x16xf32>,
        %get3A_110 = vector.shape_cast %get3A_109 : vector<1x16xf32> to vector<16xf32>
        %mul3A_111 = arith.mulf %get3A_110, %broadcast_in_dim3A : vector<16xf32>
        %swap3A_112 = arith.index_cast %add3A_67 : i32 to index
        %swap3A_113 = arith.constant 64 : index
        %swap3A_114 = tpu.vector_load %arg12[%swap3A_112, %swap3A_113] {strides = array<i32>} : memref<128x128xf32, #tpu.memory_space<vmem>>, vector<1x16xf32>,
        %swap3A_115 = vector.shape_cast %swap3A_114 : vector<1x16xf32> to vector<16xf32>
        %swap3A_116 = vector.shape_cast %mul3A_111 : vector<16xf32> to vector<1x16xf32>
        tpu.vector_store %arg12[%swap3A_112, %swap3A_113], %swap3A_116 {strides = array<i32>} : memref<128x128xf32, #tpu.memory_space<vmem>>, vector<1x16xf32>,
        %get3A_117 = arith.index_cast %add3A_67 : i32 to index
        %get3A_118 = arith.constant 80 : index
        %get3A_119 = tpu.vector_load %arg12[%get3A_117, %get3A_118] {strides = array<i32>} : memref<128x128xf32, #tpu.memory_space<vmem>>, vector<1x16xf32>,
        %get3A_120 = vector.shape_cast %get3A_119 : vector<1x16xf32> to vector<16xf32>
        %mul3A_121 = arith.mulf %get3A_120, %broadcast_in_dim3A : vector<16xf32>
        %swap3A_122 = arith.index_cast %add3A_67 : i32 to index
        %swap3A_123 = arith.constant 80 : index
        %swap3A_124 = tpu.vector_load %arg12[%swap3A_122, %swap3A_123] {strides = array<i32>} : memref<128x128xf32, #tpu.memory_space<vmem>>, vector<1x16xf32>,
        %swap3A_125 = vector.shape_cast %swap3A_124 : vector<1x16xf32> to vector<16xf32>
        %swap3A_126 = vector.shape_cast %mul3A_121 : vector<16xf32> to vector<1x16xf32>
        tpu.vector_store %arg12[%swap3A_122, %swap3A_123], %swap3A_126 {strides = array<i32>} : memref<128x128xf32, #tpu.memory_space<vmem>>, vector<1x16xf32>,
        %get3A_127 = arith.index_cast %add3A_67 : i32 to index
        %get3A_128 = arith.constant 96 : index
        %get3A_129 = tpu.vector_load %arg12[%get3A_127, %get3A_128] {strides = array<i32>} : memref<128x128xf32, #tpu.memory_space<vmem>>, vector<1x16xf32>,
        %get3A_130 = vector.shape_cast %get3A_129 : vector<1x16xf32> to vector<16xf32>
        %mul3A_131 = arith.mulf %get3A_130, %broadcast_in_dim3A : vector<16xf32>
        %swap3A_132 = arith.index_cast %add3A_67 : i32 to index
        %swap3A_133 = arith.constant 96 : index
        %swap3A_134 = tpu.vector_load %arg12[%swap3A_132, %swap3A_133] {strides = array<i32>} : memref<128x128xf32, #tpu.memory_space<vmem>>, vector<1x16xf32>,
        %swap3A_135 = vector.shape_cast %swap3A_134 : vector<1x16xf32> to vector<16xf32>
        %swap3A_136 = vector.shape_cast %mul3A_131 : vector<16xf32> to vector<1x16xf32>
        tpu.vector_store %arg12[%swap3A_132, %swap3A_133], %swap3A_136 {strides = array<i32>} : memref<128x128xf32, #tpu.memory_space<vmem>>, vector<1x16xf32>,
        %get3A_137 = arith.index_cast %add3A_67 : i32 to index
        %get3A_138 = arith.constant 112 : index
        %get3A_139 = tpu.vector_load %arg12[%get3A_137, %get3A_138] {strides = array<i32>} : memref<128x128xf32, #tpu.memory_space<vmem>>, vector<1x16xf32>,
        %get3A_140 = vector.shape_cast %get3A_139 : vector<1x16xf32> to vector<16xf32>
        %mul3A_141 = arith.mulf %get3A_140, %broadcast_in_dim3A : vector<16xf32>
        %swap3A_142 = arith.index_cast %add3A_67 : i32 to index
        %swap3A_143 = arith.constant 112 : index
        %swap3A_144 = tpu.vector_load %arg12[%swap3A_142, %swap3A_143] {strides = array<i32>} : memref<128x128xf32, #tpu.memory_space<vmem>>, vector<1x16xf32>,
        %swap3A_145 = vector.shape_cast %swap3A_144 : vector<1x16xf32> to vector<16xf32>
        %swap3A_146 = vector.shape_cast %mul3A_141 : vector<16xf32> to vector<1x16xf32>
        tpu.vector_store %arg12[%swap3A_142, %swap3A_143], %swap3A_146 {strides = array<i32>} : memref<128x128xf32, #tpu.memory_space<vmem>>, vector<1x16xf32>,
        %slice3A_147 = vector.extract_strided_slice %get3A_63 {offsets = [1], sizes = [1], strides = [1]} : vector<16xf32> to vector<1xf32>
        %squeeze3A_148 = vector.extract %slice3A_147[0] : f32 from vector<1xf32>
        %broadcast_in_dim3A_149 = vector.broadcast %squeeze3A_148 : f32 to vector<16xf32>
        %mul3A_150 = arith.constant 16 : i32
        %mul3A_151 = arith.muli %scan3A_58, %mul3A_150 : i32
        %add3A_152 = arith.constant 1 : i32
        %add3A_153 = arith.addi %mul3A_151, %add3A_152 : i32
        %get3A_154 = arith.index_cast %add3A_153 : i32 to index
        %get3A_155 = arith.constant 0 : index
        %get3A_156 = tpu.vector_load %arg12[%get3A_154, %get3A_155] {strides = array<i32>} : memref<128x128xf32, #tpu.memory_space<vmem>>, vector<1x16xf32>,
        %get3A_157 = vector.shape_cast %get3A_156 : vector<1x16xf32> to vector<16xf32>
        %mul3A_158 = arith.mulf %get3A_157, %broadcast_in_dim3A_149 : vector<16xf32>
        %swap3A_159 = arith.index_cast %add3A_153 : i32 to index
        %swap3A_160 = arith.constant 0 : index
        %swap3A_161 = tpu.vector_load %arg12[%swap3A_159, %swap3A_160] {strides = array<i32>} : memref<128x128xf32, #tpu.memory_space<vmem>>, vector<1x16xf32>,
        %swap3A_162 = vector.shape_cast %swap3A_161 : vector<1x16xf32> to vector<16xf32>
        %swap3A_163 = vector.shape_cast %mul3A_158 : vector<16xf32> to vector<1x16xf32>
        tpu.vector_store %arg12[%swap3A_159, %swap3A_160], %swap3A_163 {strides = array<i32>} : memref<128x128xf32, #tpu.memory_space<vmem>>, vector<1x16xf32>,
        %get3A_164 = arith.index_cast %add3A_153 : i32 to index
        %get3A_165 = arith.constant 16 : index
        %get3A_166 = tpu.vector_load %arg12[%get3A_164, %get3A_165] {strides = array<i32>} : memref<128x128xf32, #tpu.memory_space<vmem>>, vector<1x16xf32>,
        %get3A_167 = vector.shape_cast %get3A_166 : vector<1x16xf32> to vector<16xf32>
        %mul3A_168 = arith.mulf %get3A_167, %broadcast_in_dim3A_149 : vector<16xf32>
        %swap3A_169 = arith.index_cast %add3A_153 : i32 to index
        %swap3A_170 = arith.constant 16 : index
        %swap3A_171 = tpu.vector_load %arg12[%swap3A_169, %swap3A_170] {strides = array<i32>} : memref<128x128xf32, #tpu.memory_space<vmem>>, vector<1x16xf32>,
        %swap3A_172 = vector.shape_cast %swap3A_171 : vector<1x16xf32> to vector<16xf32>
        %swap3A_173 = vector.shape_cast %mul3A_168 : vector<16xf32> to vector<1x16xf32>
        tpu.vector_store %arg12[%swap3A_169, %swap3A_170], %swap3A_173 {strides = array<i32>} : memref<128x128xf32, #tpu.memory_space<vmem>>, vector<1x16xf32>,
        %get3A_174 = arith.index_cast %add3A_153 : i32 to index
        %get3A_175 = arith.constant 32 : index
        %get3A_176 = tpu.vector_load %arg12[%get3A_174, %get3A_175] {strides = array<i32>} : memref<128x128xf32, #tpu.memory_space<vmem>>, vector<1x16xf32>,
        %get3A_177 = vector.shape_cast %get3A_176 : vector<1x16xf32> to vector<16xf32>
        %mul3A_178 = arith.mulf %get3A_177, %broadcast_in_dim3A_149 : vector<16xf32>
        %swap3A_179 = arith.index_cast %add3A_153 : i32 to index
        %swap3A_180 = arith.constant 32 : index
        %swap3A_181 = tpu.vector_load %arg12[%swap3A_179, %swap3A_180] {strides = array<i32>} : memref<128x128xf32, #tpu.memory_space<vmem>>, vector<1x16xf32>,
        %swap3A_182 = vector.shape_cast %swap3A_181 : vector<1x16xf32> to vector<16xf32>
        %swap3A_183 = vector.shape_cast %mul3A_178 : vector<16xf32> to vector<1x16xf32>
        tpu.vector_store %arg12[%swap3A_179, %swap3A_180], %swap3A_183 {strides = array<i32>} : memref<128x128xf32, #tpu.memory_space<vmem>>, vector<1x16xf32>,
        %get3A_184 = arith.index_cast %add3A_153 : i32 to index
        %get3A_185 = arith.constant 48 : index
        %get3A_186 = tpu.vector_load %arg12[%get3A_184, %get3A_185] {strides = array<i32>} : memref<128x128xf32, #tpu.memory_space<vmem>>, vector<1x16xf32>,
        %get3A_187 = vector.shape_cast %get3A_186 : vector<1x16xf32> to vector<16xf32>
        %mul3A_188 = arith.mulf %get3A_187, %broadcast_in_dim3A_149 : vector<16xf32>
        %swap3A_189 = arith.index_cast %add3A_153 : i32 to index
        %swap3A_190 = arith.constant 48 : index
        %swap3A_191 = tpu.vector_load %arg12[%swap3A_189, %swap3A_190] {strides = array<i32>} : memref<128x128xf32, #tpu.memory_space<vmem>>, vector<1x16xf32>,
        %swap3A_192 = vector.shape_cast %swap3A_191 : vector<1x16xf32> to vector<16xf32>
        %swap3A_193 = vector.shape_cast %mul3A_188 : vector<16xf32> to vector<1x16xf32>
        tpu.vector_store %arg12[%swap3A_189, %swap3A_190], %swap3A_193 {strides = array<i32>} : memref<128x128xf32, #tpu.memory_space<vmem>>, vector<1x16xf32>,
        %get3A_194 = arith.index_cast %add3A_153 : i32 to index
        %get3A_195 = arith.constant 64 : index
        %get3A_196 = tpu.vector_load %arg12[%get3A_194, %get3A_195] {strides = array<i32>} : memref<128x128xf32, #tpu.memory_space<vmem>>, vector<1x16xf32>,
        %get3A_197 = vector.shape_cast %get3A_196 : vector<1x16xf32> to vector<16xf32>
        %mul3A_198 = arith.mulf %get3A_197, %broadcast_in_dim3A_149 : vector<16xf32>
        %swap3A_199 = arith.index_cast %add3A_153 : i32 to index
        %swap3A_200 = arith.constant 64 : index
        %swap3A_201 = tpu.vector_load %arg12[%swap3A_199, %swap3A_200] {strides = array<i32>} : memref<128x128xf32, #tpu.memory_space<vmem>>, vector<1x16xf32>,
        %swap3A_202 = vector.shape_cast %swap3A_201 : vector<1x16xf32> to vector<16xf32>
        %swap3A_203 = vector.shape_cast %mul3A_198 : vector<16xf32> to vector<1x16xf32>
        tpu.vector_store %arg12[%swap3A_199, %swap3A_200], %swap3A_203 {strides = array<i32>} : memref<128x128xf32, #tpu.memory_space<vmem>>, vector<1x16xf32>,
        %get3A_204 = arith.index_cast %add3A_153 : i32 to index
        %get3A_205 = arith.constant 80 : index
        %get3A_206 = tpu.vector_load %arg12[%get3A_204, %get3A_205] {strides = array<i32>} : memref<128x128xf32, #tpu.memory_space<vmem>>, vector<1x16xf32>,
        %get3A_207 = vector.shape_cast %get3A_206 : vector<1x16xf32> to vector<16xf32>
        %mul3A_208 = arith.mulf %get3A_207, %broadcast_in_dim3A_149 : vector<16xf32>
        %swap3A_209 = arith.index_cast %add3A_153 : i32 to index
        %swap3A_210 = arith.constant 80 : index
        %swap3A_211 = tpu.vector_load %arg12[%swap3A_209, %swap3A_210] {strides = array<i32>} : memref<128x128xf32, #tpu.memory_space<vmem>>, vector<1x16xf32>,
        %swap3A_212 = vector.shape_cast %swap3A_211 : vector<1x16xf32> to vector<16xf32>
        %swap3A_213 = vector.shape_cast %mul3A_208 : vector<16xf32> to vector<1x16xf32>
        tpu.vector_store %arg12[%swap3A_209, %swap3A_210], %swap3A_213 {strides = array<i32>} : memref<128x128xf32, #tpu.memory_space<vmem>>, vector<1x16xf32>,
        %get3A_214 = arith.index_cast %add3A_153 : i32 to index
        %get3A_215 = arith.constant 96 : index
        %get3A_216 = tpu.vector_load %arg12[%get3A_214, %get3A_215] {strides = array<i32>} : memref<128x128xf32, #tpu.memory_space<vmem>>, vector<1x16xf32>,
        %get3A_217 = vector.shape_cast %get3A_216 : vector<1x16xf32> to vector<16xf32>
        %mul3A_218 = arith.mulf %get3A_217, %broadcast_in_dim3A_149 : vector<16xf32>
        %swap3A_219 = arith.index_cast %add3A_153 : i32 to index
        %swap3A_220 = arith.constant 96 : index
        %swap3A_221 = tpu.vector_load %arg12[%swap3A_219, %swap3A_220] {strides = array<i32>} : memref<128x128xf32, #tpu.memory_space<vmem>>, vector<1x16xf32>,
        %swap3A_222 = vector.shape_cast %swap3A_221 : vector<1x16xf32> to vector<16xf32>
        %swap3A_223 = vector.shape_cast %mul3A_218 : vector<16xf32> to vector<1x16xf32>
        tpu.vector_store %arg12[%swap3A_219, %swap3A_220], %swap3A_223 {strides = array<i32>} : memref<128x128xf32, #tpu.memory_space<vmem>>, vector<1x16xf32>,
        %get3A_224 = arith.index_cast %add3A_153 : i32 to index
        %get3A_225 = arith.constant 112 : index
        %get3A_226 = tpu.vector_load %arg12[%get3A_224, %get3A_225] {strides = array<i32>} : memref<128x128xf32, #tpu.memory_space<vmem>>, vector<1x16xf32>,
        %get3A_227 = vector.shape_cast %get3A_226 : vector<1x16xf32> to vector<16xf32>
        %mul3A_228 = arith.mulf %get3A_227, %broadcast_in_dim3A_149 : vector<16xf32>
        %swap3A_229 = arith.index_cast %add3A_153 : i32 to index
        %swap3A_230 = arith.constant 112 : index
        %swap3A_231 = tpu.vector_load %arg12[%swap3A_229, %swap3A_230] {strides = array<i32>} : memref<128x128xf32, #tpu.memory_space<vmem>>, vector<1x16xf32>,
        %swap3A_232 = vector.shape_cast %swap3A_231 : vector<1x16xf32> to vector<16xf32>
        %swap3A_233 = vector.shape_cast %mul3A_228 : vector<16xf32> to vector<1x16xf32>
        tpu.vector_store %arg12[%swap3A_229, %swap3A_230], %swap3A_233 {strides = array<i32>} : memref<128x128xf32, #tpu.memory_space<vmem>>, vector<1x16xf32>,
        %slice3A_234 = vector.extract_strided_slice %get3A_63 {offsets = [2], sizes = [1], strides = [1]} : vector<16xf32> to vector<1xf32>
        %squeeze3A_235 = vector.extract %slice3A_234[0] : f32 from vector<1xf32>
        %broadcast_in_dim3A_236 = vector.broadcast %squeeze3A_235 : f32 to vector<16xf32>
        %mul3A_237 = arith.constant 16 : i32
        %mul3A_238 = arith.muli %scan3A_58, %mul3A_237 : i32
        %add3A_239 = arith.constant 2 : i32
        %add3A_240 = arith.addi %mul3A_238, %add3A_239 : i32
        %get3A_241 = arith.index_cast %add3A_240 : i32 to index
        %get3A_242 = arith.constant 0 : index
        %get3A_243 = tpu.vector_load %arg12[%get3A_241, %get3A_242] {strides = array<i32>} : memref<128x128xf32, #tpu.memory_space<vmem>>, vector<1x16xf32>,
        %get3A_244 = vector.shape_cast %get3A_243 : vector<1x16xf32> to vector<16xf32>
        %mul3A_245 = arith.mulf %get3A_244, %broadcast_in_dim3A_236 : vector<16xf32>
        %swap3A_246 = arith.index_cast %add3A_240 : i32 to index
        %swap3A_247 = arith.constant 0 : index
        %swap3A_248 = tpu.vector_load %arg12[%swap3A_246, %swap3A_247] {strides = array<i32>} : memref<128x128xf32, #tpu.memory_space<vmem>>, vector<1x16xf32>,
        %swap3A_249 = vector.shape_cast %swap3A_248 : vector<1x16xf32> to vector<16xf32>
        %swap3A_250 = vector.shape_cast %mul3A_245 : vector<16xf32> to vector<1x16xf32>
        tpu.vector_store %arg12[%swap3A_246, %swap3A_247], %swap3A_250 {strides = array<i32>} : memref<128x128xf32, #tpu.memory_space<vmem>>, vector<1x16xf32>,
        %get3A_251 = arith.index_cast %add3A_240 : i32 to index
        %get3A_252 = arith.constant 16 : index
        %get3A_253 = tpu.vector_load %arg12[%get3A_251, %get3A_252] {strides = array<i32>} : memref<128x128xf32, #tpu.memory_space<vmem>>, vector<1x16xf32>,
        %get3A_254 = vector.shape_cast %get3A_253 : vector<1x16xf32> to vector<16xf32>
        %mul3A_255 = arith.mulf %get3A_254, %broadcast_in_dim3A_236 : vector<16xf32>
        %swap3A_256 = arith.index_cast %add3A_240 : i32 to index
        %swap3A_257 = arith.constant 16 : index
        %swap3A_258 = tpu.vector_load %arg12[%swap3A_256, %swap3A_257] {strides = array<i32>} : memref<128x128xf32, #tpu.memory_space<vmem>>, vector<1x16xf32>,
        %swap3A_259 = vector.shape_cast %swap3A_258 : vector<1x16xf32> to vector<16xf32>
        %swap3A_260 = vector.shape_cast %mul3A_255 : vector<16xf32> to vector<1x16xf32>
        tpu.vector_store %arg12[%swap3A_256, %swap3A_257], %swap3A_260 {strides = array<i32>} : memref<128x128xf32, #tpu.memory_space<vmem>>, vector<1x16xf32>,
        %get3A_261 = arith.index_cast %add3A_240 : i32 to index
        %get3A_262 = arith.constant 32 : index
        %get3A_263 = tpu.vector_load %arg12[%get3A_261, %get3A_262] {strides = array<i32>} : memref<128x128xf32, #tpu.memory_space<vmem>>, vector<1x16xf32>,
        %get3A_264 = vector.shape_cast %get3A_263 : vector<1x16xf32> to vector<16xf32>
        %mul3A_265 = arith.mulf %get3A_264, %broadcast_in_dim3A_236 : vector<16xf32>
        %swap3A_266 = arith.index_cast %add3A_240 : i32 to index
        %swap3A_267 = arith.constant 32 : index
        %swap3A_268 = tpu.vector_load %arg12[%swap3A_266, %swap3A_267] {strides = array<i32>} : memref<128x128xf32, #tpu.memory_space<vmem>>, vector<1x16xf32>,
        %swap3A_269 = vector.shape_cast %swap3A_268 : vector<1x16xf32> to vector<16xf32>
        %swap3A_270 = vector.shape_cast %mul3A_265 : vector<16xf32> to vector<1x16xf32>
        tpu.vector_store %arg12[%swap3A_266, %swap3A_267], %swap3A_270 {strides = array<i32>} : memref<128x128xf32, #tpu.memory_space<vmem>>, vector<1x16xf32>,
        %get3A_271 = arith.index_cast %add3A_240 : i32 to index
        %get3A_272 = arith.constant 48 : index
        %get3A_273 = tpu.vector_load %arg12[%get3A_271, %get3A_272] {strides = array<i32>} : memref<128x128xf32, #tpu.memory_space<vmem>>, vector<1x16xf32>,
        %get3A_274 = vector.shape_cast %get3A_273 : vector<1x16xf32> to vector<16xf32>
        %mul3A_275 = arith.mulf %get3A_274, %broadcast_in_dim3A_236 : vector<16xf32>
        %swap3A_276 = arith.index_cast %add3A_240 : i32 to index
        %swap3A_277 = arith.constant 48 : index
        %swap3A_278 = tpu.vector_load %arg12[%swap3A_276, %swap3A_277] {strides = array<i32>} : memref<128x128xf32, #tpu.memory_space<vmem>>, vector<1x16xf32>,
        %swap3A_279 = vector.shape_cast %swap3A_278 : vector<1x16xf32> to vector<16xf32>
        %swap3A_280 = vector.shape_cast %mul3A_275 : vector<16xf32> to vector<1x16xf32>
        tpu.vector_store %arg12[%swap3A_276, %swap3A_277], %swap3A_280 {strides = array<i32>} : memref<128x128xf32, #tpu.memory_space<vmem>>, vector<1x16xf32>,
        %get3A_281 = arith.index_cast %add3A_240 : i32 to index
        %get3A_282 = arith.constant 64 : index
        %get3A_283 = tpu.vector_load %arg12[%get3A_281, %get3A_282] {strides = array<i32>} : memref<128x128xf32, #tpu.memory_space<vmem>>, vector<1x16xf32>,
        %get3A_284 = vector.shape_cast %get3A_283 : vector<1x16xf32> to vector<16xf32>
        %mul3A_285 = arith.mulf %get3A_284, %broadcast_in_dim3A_236 : vector<16xf32>
        %swap3A_286 = arith.index_cast %add3A_240 : i32 to index
        %swap3A_287 = arith.constant 64 : index
        %swap3A_288 = tpu.vector_load %arg12[%swap3A_286, %swap3A_287] {strides = array<i32>} : memref<128x128xf32, #tpu.memory_space<vmem>>, vector<1x16xf32>,
        %swap3A_289 = vector.shape_cast %swap3A_288 : vector<1x16xf32> to vector<16xf32>
        %swap3A_290 = vector.shape_cast %mul3A_285 : vector<16xf32> to vector<1x16xf32>
        tpu.vector_store %arg12[%swap3A_286, %swap3A_287], %swap3A_290 {strides = array<i32>} : memref<128x128xf32, #tpu.memory_space<vmem>>, vector<1x16xf32>,
        %get3A_291 = arith.index_cast %add3A_240 : i32 to index
        %get3A_292 = arith.constant 80 : index
        %get3A_293 = tpu.vector_load %arg12[%get3A_291, %get3A_292] {strides = array<i32>} : memref<128x128xf32, #tpu.memory_space<vmem>>, vector<1x16xf32>,
        %get3A_294 = vector.shape_cast %get3A_293 : vector<1x16xf32> to vector<16xf32>
        %mul3A_295 = arith.mulf %get3A_294, %broadcast_in_dim3A_236 : vector<16xf32>
        %swap3A_296 = arith.index_cast %add3A_240 : i32 to index
        %swap3A_297 = arith.constant 80 : index
        %swap3A_298 = tpu.vector_load %arg12[%swap3A_296, %swap3A_297] {strides = array<i32>} : memref<128x128xf32, #tpu.memory_space<vmem>>, vector<1x16xf32>,
        %swap3A_299 = vector.shape_cast %swap3A_298 : vector<1x16xf32> to vector<16xf32>
        %swap3A_300 = vector.shape_cast %mul3A_295 : vector<16xf32> to vector<1x16xf32>
        tpu.vector_store %arg12[%swap3A_296, %swap3A_297], %swap3A_300 {strides = array<i32>} : memref<128x128xf32, #tpu.memory_space<vmem>>, vector<1x16xf32>,
        %get3A_301 = arith.index_cast %add3A_240 : i32 to index
        %get3A_302 = arith.constant 96 : index
        %get3A_303 = tpu.vector_load %arg12[%get3A_301, %get3A_302] {strides = array<i32>} : memref<128x128xf32, #tpu.memory_space<vmem>>, vector<1x16xf32>,
        %get3A_304 = vector.shape_cast %get3A_303 : vector<1x16xf32> to vector<16xf32>
        %mul3A_305 = arith.mulf %get3A_304, %broadcast_in_dim3A_236 : vector<16xf32>
        %swap3A_306 = arith.index_cast %add3A_240 : i32 to index
        %swap3A_307 = arith.constant 96 : index
        %swap3A_308 = tpu.vector_load %arg12[%swap3A_306, %swap3A_307] {strides = array<i32>} : memref<128x128xf32, #tpu.memory_space<vmem>>, vector<1x16xf32>,
        %swap3A_309 = vector.shape_cast %swap3A_308 : vector<1x16xf32> to vector<16xf32>
        %swap3A_310 = vector.shape_cast %mul3A_305 : vector<16xf32> to vector<1x16xf32>
        tpu.vector_store %arg12[%swap3A_306, %swap3A_307], %swap3A_310 {strides = array<i32>} : memref<128x128xf32, #tpu.memory_space<vmem>>, vector<1x16xf32>,
        %get3A_311 = arith.index_cast %add3A_240 : i32 to index
        %get3A_312 = arith.constant 112 : index
        %get3A_313 = tpu.vector_load %arg12[%get3A_311, %get3A_312] {strides = array<i32>} : memref<128x128xf32, #tpu.memory_space<vmem>>, vector<1x16xf32>,
        %get3A_314 = vector.shape_cast %get3A_313 : vector<1x16xf32> to vector<16xf32>
        %mul3A_315 = arith.mulf %get3A_314, %broadcast_in_dim3A_236 : vector<16xf32>
        %swap3A_316 = arith.index_cast %add3A_240 : i32 to index
        %swap3A_317 = arith.constant 112 : index
        %swap3A_318 = tpu.vector_load %arg12[%swap3A_316, %swap3A_317] {strides = array<i32>} : memref<128x128xf32, #tpu.memory_space<vmem>>, vector<1x16xf32>,
        %swap3A_319 = vector.shape_cast %swap3A_318 : vector<1x16xf32> to vector<16xf32>
        %swap3A_320 = vector.shape_cast %mul3A_315 : vector<16xf32> to vector<1x16xf32>
        tpu.vector_store %arg12[%swap3A_316, %swap3A_317], %swap3A_320 {strides = array<i32>} : memref<128x128xf32, #tpu.memory_space<vmem>>, vector<1x16xf32>,
        %slice3A_321 = vector.extract_strided_slice %get3A_63 {offsets = [3], sizes = [1], strides = [1]} : vector<16xf32> to vector<1xf32>
        %squeeze3A_322 = vector.extract %slice3A_321[0] : f32 from vector<1xf32>
        %broadcast_in_dim3A_323 = vector.broadcast %squeeze3A_322 : f32 to vector<16xf32>
        %mul3A_324 = arith.constant 16 : i32
        %mul3A_325 = arith.muli %scan3A_58, %mul3A_324 : i32
        %add3A_326 = arith.constant 3 : i32
        %add3A_327 = arith.addi %mul3A_325, %add3A_326 : i32
        %get3A_328 = arith.index_cast %add3A_327 : i32 to index
        %get3A_329 = arith.constant 0 : index
        %get3A_330 = tpu.vector_load %arg12[%get3A_328, %get3A_329] {strides = array<i32>} : memref<128x128xf32, #tpu.memory_space<vmem>>, vector<1x16xf32>,
        %get3A_331 = vector.shape_cast %get3A_330 : vector<1x16xf32> to vector<16xf32>
        %mul3A_332 = arith.mulf %get3A_331, %broadcast_in_dim3A_323 : vector<16xf32>
        %swap3A_333 = arith.index_cast %add3A_327 : i32 to index
        %swap3A_334 = arith.constant 0 : index
        %swap3A_335 = tpu.vector_load %arg12[%swap3A_333, %swap3A_334] {strides = array<i32>} : memref<128x128xf32, #tpu.memory_space<vmem>>, vector<1x16xf32>,
        %swap3A_336 = vector.shape_cast %swap3A_335 : vector<1x16xf32> to vector<16xf32>
        %swap3A_337 = vector.shape_cast %mul3A_332 : vector<16xf32> to vector<1x16xf32>
        tpu.vector_store %arg12[%swap3A_333, %swap3A_334], %swap3A_337 {strides = array<i32>} : memref<128x128xf32, #tpu.memory_space<vmem>>, vector<1x16xf32>,
        %get3A_338 = arith.index_cast %add3A_327 : i32 to index
        %get3A_339 = arith.constant 16 : index
        %get3A_340 = tpu.vector_load %arg12[%get3A_338, %get3A_339] {strides = array<i32>} : memref<128x128xf32, #tpu.memory_space<vmem>>, vector<1x16xf32>,
        %get3A_341 = vector.shape_cast %get3A_340 : vector<1x16xf32> to vector<16xf32>
        %mul3A_342 = arith.mulf %get3A_341, %broadcast_in_dim3A_323 : vector<16xf32>
        %swap3A_343 = arith.index_cast %add3A_327 : i32 to index
        %swap3A_344 = arith.constant 16 : index
        %swap3A_345 = tpu.vector_load %arg12[%swap3A_343, %swap3A_344] {strides = array<i32>} : memref<128x128xf32, #tpu.memory_space<vmem>>, vector<1x16xf32>,
        %swap3A_346 = vector.shape_cast %swap3A_345 : vector<1x16xf32> to vector<16xf32>
        %swap3A_347 = vector.shape_cast %mul3A_342 : vector<16xf32> to vector<1x16xf32>
        tpu.vector_store %arg12[%swap3A_343, %swap3A_344], %swap3A_347 {strides = array<i32>} : memref<128x128xf32, #tpu.memory_space<vmem>>, vector<1x16xf32>,
        %get3A_348 = arith.index_cast %add3A_327 : i32 to index
        %get3A_349 = arith.constant 32 : index
        %get3A_350 = tpu.vector_load %arg12[%get3A_348, %get3A_349] {strides = array<i32>} : memref<128x128xf32, #tpu.memory_space<vmem>>, vector<1x16xf32>,
        %get3A_351 = vector.shape_cast %get3A_350 : vector<1x16xf32> to vector<16xf32>
        %mul3A_352 = arith.mulf %get3A_351, %broadcast_in_dim3A_323 : vector<16xf32>
        %swap3A_353 = arith.index_cast %add3A_327 : i32 to index
        %swap3A_354 = arith.constant 32 : index
        %swap3A_355 = tpu.vector_load %arg12[%swap3A_353, %swap3A_354] {strides = array<i32>} : memref<128x128xf32, #tpu.memory_space<vmem>>, vector<1x16xf32>,
        %swap3A_356 = vector.shape_cast %swap3A_355 : vector<1x16xf32> to vector<16xf32>
        %swap3A_357 = vector.shape_cast %mul3A_352 : vector<16xf32> to vector<1x16xf32>
        tpu.vector_store %arg12[%swap3A_353, %swap3A_354], %swap3A_357 {strides = array<i32>} : memref<128x128xf32, #tpu.memory_space<vmem>>, vector<1x16xf32>,
        %get3A_358 = arith.index_cast %add3A_327 : i32 to index
        %get3A_359 = arith.constant 48 : index
        %get3A_360 = tpu.vector_load %arg12[%get3A_358, %get3A_359] {strides = array<i32>} : memref<128x128xf32, #tpu.memory_space<vmem>>, vector<1x16xf32>,
        %get3A_361 = vector.shape_cast %get3A_360 : vector<1x16xf32> to vector<16xf32>
        %mul3A_362 = arith.mulf %get3A_361, %broadcast_in_dim3A_323 : vector<16xf32>
        %swap3A_363 = arith.index_cast %add3A_327 : i32 to index
        %swap3A_364 = arith.constant 48 : index
        %swap3A_365 = tpu.vector_load %arg12[%swap3A_363, %swap3A_364] {strides = array<i32>} : memref<128x128xf32, #tpu.memory_space<vmem>>, vector<1x16xf32>,
        %swap3A_366 = vector.shape_cast %swap3A_365 : vector<1x16xf32> to vector<16xf32>
        %swap3A_367 = vector.shape_cast %mul3A_362 : vector<16xf32> to vector<1x16xf32>
        tpu.vector_store %arg12[%swap3A_363, %swap3A_364], %swap3A_367 {strides = array<i32>} : memref<128x128xf32, #tpu.memory_space<vmem>>, vector<1x16xf32>,
        %get3A_368 = arith.index_cast %add3A_327 : i32 to index
        %get3A_369 = arith.constant 64 : index
        %get3A_370 = tpu.vector_load %arg12[%get3A_368, %get3A_369] {strides = array<i32>} : memref<128x128xf32, #tpu.memory_space<vmem>>, vector<1x16xf32>,
        %get3A_371 = vector.shape_cast %get3A_370 : vector<1x16xf32> to vector<16xf32>
        %mul3A_372 = arith.mulf %get3A_371, %broadcast_in_dim3A_323 : vector<16xf32>
        %swap3A_373 = arith.index_cast %add3A_327 : i32 to index
        %swap3A_374 = arith.constant 64 : index
        %swap3A_375 = tpu.vector_load %arg12[%swap3A_373, %swap3A_374] {strides = array<i32>} : memref<128x128xf32, #tpu.memory_space<vmem>>, vector<1x16xf32>,
        %swap3A_376 = vector.shape_cast %swap3A_375 : vector<1x16xf32> to vector<16xf32>
        %swap3A_377 = vector.shape_cast %mul3A_372 : vector<16xf32> to vector<1x16xf32>
        tpu.vector_store %arg12[%swap3A_373, %swap3A_374], %swap3A_377 {strides = array<i32>} : memref<128x128xf32, #tpu.memory_space<vmem>>, vector<1x16xf32>,
        %get3A_378 = arith.index_cast %add3A_327 : i32 to index
        %get3A_379 = arith.constant 80 : index
        %get3A_380 = tpu.vector_load %arg12[%get3A_378, %get3A_379] {strides = array<i32>} : memref<128x128xf32, #tpu.memory_space<vmem>>, vector<1x16xf32>,
        %get3A_381 = vector.shape_cast %get3A_380 : vector<1x16xf32> to vector<16xf32>
        %mul3A_382 = arith.mulf %get3A_381, %broadcast_in_dim3A_323 : vector<16xf32>
        %swap3A_383 = arith.index_cast %add3A_327 : i32 to index
        %swap3A_384 = arith.constant 80 : index
        %swap3A_385 = tpu.vector_load %arg12[%swap3A_383, %swap3A_384] {strides = array<i32>} : memref<128x128xf32, #tpu.memory_space<vmem>>, vector<1x16xf32>,
        %swap3A_386 = vector.shape_cast %swap3A_385 : vector<1x16xf32> to vector<16xf32>
        %swap3A_387 = vector.shape_cast %mul3A_382 : vector<16xf32> to vector<1x16xf32>
        tpu.vector_store %arg12[%swap3A_383, %swap3A_384], %swap3A_387 {strides = array<i32>} : memref<128x128xf32, #tpu.memory_space<vmem>>, vector<1x16xf32>,
        %get3A_388 = arith.index_cast %add3A_327 : i32 to index
        %get3A_389 = arith.constant 96 : index
        %get3A_390 = tpu.vector_load %arg12[%get3A_388, %get3A_389] {strides = array<i32>} : memref<128x128xf32, #tpu.memory_space<vmem>>, vector<1x16xf32>,
        %get3A_391 = vector.shape_cast %get3A_390 : vector<1x16xf32> to vector<16xf32>
        %mul3A_392 = arith.mulf %get3A_391, %broadcast_in_dim3A_323 : vector<16xf32>
        %swap3A_393 = arith.index_cast %add3A_327 : i32 to index
        %swap3A_394 = arith.constant 96 : index
        %swap3A_395 = tpu.vector_load %arg12[%swap3A_393, %swap3A_394] {strides = array<i32>} : memref<128x128xf32, #tpu.memory_space<vmem>>, vector<1x16xf32>,
        %swap3A_396 = vector.shape_cast %swap3A_395 : vector<1x16xf32> to vector<16xf32>
        %swap3A_397 = vector.shape_cast %mul3A_392 : vector<16xf32> to vector<1x16xf32>
        tpu.vector_store %arg12[%swap3A_393, %swap3A_394], %swap3A_397 {strides = array<i32>} : memref<128x128xf32, #tpu.memory_space<vmem>>, vector<1x16xf32>,
        %get3A_398 = arith.index_cast %add3A_327 : i32 to index
        %get3A_399 = arith.constant 112 : index
        %get3A_400 = tpu.vector_load %arg12[%get3A_398, %get3A_399] {strides = array<i32>} : memref<128x128xf32, #tpu.memory_space<vmem>>, vector<1x16xf32>,
        %get3A_401 = vector.shape_cast %get3A_400 : vector<1x16xf32> to vector<16xf32>
        %mul3A_402 = arith.mulf %get3A_401, %broadcast_in_dim3A_323 : vector<16xf32>
        %swap3A_403 = arith.index_cast %add3A_327 : i32 to index
        %swap3A_404 = arith.constant 112 : index
        %swap3A_405 = tpu.vector_load %arg12[%swap3A_403, %swap3A_404] {strides = array<i32>} : memref<128x128xf32, #tpu.memory_space<vmem>>, vector<1x16xf32>,
        %swap3A_406 = vector.shape_cast %swap3A_405 : vector<1x16xf32> to vector<16xf32>
        %swap3A_407 = vector.shape_cast %mul3A_402 : vector<16xf32> to vector<1x16xf32>
        tpu.vector_store %arg12[%swap3A_403, %swap3A_404], %swap3A_407 {strides = array<i32>} : memref<128x128xf32, #tpu.memory_space<vmem>>, vector<1x16xf32>,
        %slice3A_408 = vector.extract_strided_slice %get3A_63 {offsets = [4], sizes = [1], strides = [1]} : vector<16xf32> to vector<1xf32>
        %squeeze3A_409 = vector.extract %slice3A_408[0] : f32 from vector<1xf32>
        %broadcast_in_dim3A_410 = vector.broadcast %squeeze3A_409 : f32 to vector<16xf32>
        %mul3A_411 = arith.constant 16 : i32
        %mul3A_412 = arith.muli %scan3A_58, %mul3A_411 : i32
        %add3A_413 = arith.constant 4 : i32
        %add3A_414 = arith.addi %mul3A_412, %add3A_413 : i32
        %get3A_415 = arith.index_cast %add3A_414 : i32 to index
        %get3A_416 = arith.constant 0 : index
        %get3A_417 = tpu.vector_load %arg12[%get3A_415, %get3A_416] {strides = array<i32>} : memref<128x128xf32, #tpu.memory_space<vmem>>, vector<1x16xf32>,
        %get3A_418 = vector.shape_cast %get3A_417 : vector<1x16xf32> to vector<16xf32>
        %mul3A_419 = arith.mulf %get3A_418, %broadcast_in_dim3A_410 : vector<16xf32>
        %swap3A_420 = arith.index_cast %add3A_414 : i32 to index
        %swap3A_421 = arith.constant 0 : index
        %swap3A_422 = tpu.vector_load %arg12[%swap3A_420, %swap3A_421] {strides = array<i32>} : memref<128x128xf32, #tpu.memory_space<vmem>>, vector<1x16xf32>,
        %swap3A_423 = vector.shape_cast %swap3A_422 : vector<1x16xf32> to vector<16xf32>
        %swap3A_424 = vector.shape_cast %mul3A_419 : vector<16xf32> to vector<1x16xf32>
        tpu.vector_store %arg12[%swap3A_420, %swap3A_421], %swap3A_424 {strides = array<i32>} : memref<128x128xf32, #tpu.memory_space<vmem>>, vector<1x16xf32>,
        %get3A_425 = arith.index_cast %add3A_414 : i32 to index
        %get3A_426 = arith.constant 16 : index
        %get3A_427 = tpu.vector_load %arg12[%get3A_425, %get3A_426] {strides = array<i32>} : memref<128x128xf32, #tpu.memory_space<vmem>>, vector<1x16xf32>,
        %get3A_428 = vector.shape_cast %get3A_427 : vector<1x16xf32> to vector<16xf32>
        %mul3A_429 = arith.mulf %get3A_428, %broadcast_in_dim3A_410 : vector<16xf32>
        %swap3A_430 = arith.index_cast %add3A_414 : i32 to index
        %swap3A_431 = arith.constant 16 : index
        %swap3A_432 = tpu.vector_load %arg12[%swap3A_430, %swap3A_431] {strides = array<i32>} : memref<128x128xf32, #tpu.memory_space<vmem>>, vector<1x16xf32>,
        %swap3A_433 = vector.shape_cast %swap3A_432 : vector<1x16xf32> to vector<16xf32>
        %swap3A_434 = vector.shape_cast %mul3A_429 : vector<16xf32> to vector<1x16xf32>
        tpu.vector_store %arg12[%swap3A_430, %swap3A_431], %swap3A_434 {strides = array<i32>} : memref<128x128xf32, #tpu.memory_space<vmem>>, vector<1x16xf32>,
        %get3A_435 = arith.index_cast %add3A_414 : i32 to index
        %get3A_436 = arith.constant 32 : index
        %get3A_437 = tpu.vector_load %arg12[%get3A_435, %get3A_436] {strides = array<i32>} : memref<128x128xf32, #tpu.memory_space<vmem>>, vector<1x16xf32>,
        %get3A_438 = vector.shape_cast %get3A_437 : vector<1x16xf32> to vector<16xf32>
        %mul3A_439 = arith.mulf %get3A_438, %broadcast_in_dim3A_410 : vector<16xf32>
        %swap3A_440 = arith.index_cast %add3A_414 : i32 to index
        %swap3A_441 = arith.constant 32 : index
        %swap3A_442 = tpu.vector_load %arg12[%swap3A_440, %swap3A_441] {strides = array<i32>} : memref<128x128xf32, #tpu.memory_space<vmem>>, vector<1x16xf32>,
        %swap3A_443 = vector.shape_cast %swap3A_442 : vector<1x16xf32> to vector<16xf32>
        %swap3A_444 = vector.shape_cast %mul3A_439 : vector<16xf32> to vector<1x16xf32>
        tpu.vector_store %arg12[%swap3A_440, %swap3A_441], %swap3A_444 {strides = array<i32>} : memref<128x128xf32, #tpu.memory_space<vmem>>, vector<1x16xf32>,
        %get3A_445 = arith.index_cast %add3A_414 : i32 to index
        %get3A_446 = arith.constant 48 : index
        %get3A_447 = tpu.vector_load %arg12[%get3A_445, %get3A_446] {strides = array<i32>} : memref<128x128xf32, #tpu.memory_space<vmem>>, vector<1x16xf32>,
        %get3A_448 = vector.shape_cast %get3A_447 : vector<1x16xf32> to vector<16xf32>
        %mul3A_449 = arith.mulf %get3A_448, %broadcast_in_dim3A_410 : vector<16xf32>
        %swap3A_450 = arith.index_cast %add3A_414 : i32 to index
        %swap3A_451 = arith.constant 48 : index
        %swap3A_452 = tpu.vector_load %arg12[%swap3A_450, %swap3A_451] {strides = array<i32>} : memref<128x128xf32, #tpu.memory_space<vmem>>, vector<1x16xf32>,
        %swap3A_453 = vector.shape_cast %swap3A_452 : vector<1x16xf32> to vector<16xf32>
        %swap3A_454 = vector.shape_cast %mul3A_449 : vector<16xf32> to vector<1x16xf32>
        tpu.vector_store %arg12[%swap3A_450, %swap3A_451], %swap3A_454 {strides = array<i32>} : memref<128x128xf32, #tpu.memory_space<vmem>>, vector<1x16xf32>,
        %get3A_455 = arith.index_cast %add3A_414 : i32 to index
        %get3A_456 = arith.constant 64 : index
        %get3A_457 = tpu.vector_load %arg12[%get3A_455, %get3A_456] {strides = array<i32>} : memref<128x128xf32, #tpu.memory_space<vmem>>, vector<1x16xf32>,
        %get3A_458 = vector.shape_cast %get3A_457 : vector<1x16xf32> to vector<16xf32>
        %mul3A_459 = arith.mulf %get3A_458, %broadcast_in_dim3A_410 : vector<16xf32>
        %swap3A_460 = arith.index_cast %add3A_414 : i32 to index
        %swap3A_461 = arith.constant 64 : index
        %swap3A_462 = tpu.vector_load %arg12[%swap3A_460, %swap3A_461] {strides = array<i32>} : memref<128x128xf32, #tpu.memory_space<vmem>>, vector<1x16xf32>,
        %swap3A_463 = vector.shape_cast %swap3A_462 : vector<1x16xf32> to vector<16xf32>
        %swap3A_464 = vector.shape_cast %mul3A_459 : vector<16xf32> to vector<1x16xf32>
        tpu.vector_store %arg12[%swap3A_460, %swap3A_461], %swap3A_464 {strides = array<i32>} : memref<128x128xf32, #tpu.memory_space<vmem>>, vector<1x16xf32>,
        %get3A_465 = arith.index_cast %add3A_414 : i32 to index
        %get3A_466 = arith.constant 80 : index
        %get3A_467 = tpu.vector_load %arg12[%get3A_465, %get3A_466] {strides = array<i32>} : memref<128x128xf32, #tpu.memory_space<vmem>>, vector<1x16xf32>,
        %get3A_468 = vector.shape_cast %get3A_467 : vector<1x16xf32> to vector<16xf32>
        %mul3A_469 = arith.mulf %get3A_468, %broadcast_in_dim3A_410 : vector<16xf32>
        %swap3A_470 = arith.index_cast %add3A_414 : i32 to index
        %swap3A_471 = arith.constant 80 : index
        %swap3A_472 = tpu.vector_load %arg12[%swap3A_470, %swap3A_471] {strides = array<i32>} : memref<128x128xf32, #tpu.memory_space<vmem>>, vector<1x16xf32>,
        %swap3A_473 = vector.shape_cast %swap3A_472 : vector<1x16xf32> to vector<16xf32>
        %swap3A_474 = vector.shape_cast %mul3A_469 : vector<16xf32> to vector<1x16xf32>
        tpu.vector_store %arg12[%swap3A_470, %swap3A_471], %swap3A_474 {strides = array<i32>} : memref<128x128xf32, #tpu.memory_space<vmem>>, vector<1x16xf32>,
        %get3A_475 = arith.index_cast %add3A_414 : i32 to index
        %get3A_476 = arith.constant 96 : index
        %get3A_477 = tpu.vector_load %arg12[%get3A_475, %get3A_476] {strides = array<i32>} : memref<128x128xf32, #tpu.memory_space<vmem>>, vector<1x16xf32>,
        %get3A_478 = vector.shape_cast %get3A_477 : vector<1x16xf32> to vector<16xf32>
        %mul3A_479 = arith.mulf %get3A_478, %broadcast_in_dim3A_410 : vector<16xf32>
        %swap3A_480 = arith.index_cast %add3A_414 : i32 to index
        %swap3A_481 = arith.constant 96 : index
        %swap3A_482 = tpu.vector_load %arg12[%swap3A_480, %swap3A_481] {strides = array<i32>} : memref<128x128xf32, #tpu.memory_space<vmem>>, vector<1x16xf32>,
        %swap3A_483 = vector.shape_cast %swap3A_482 : vector<1x16xf32> to vector<16xf32>
        %swap3A_484 = vector.shape_cast %mul3A_479 : vector<16xf32> to vector<1x16xf32>
        tpu.vector_store %arg12[%swap3A_480, %swap3A_481], %swap3A_484 {strides = array<i32>} : memref<128x128xf32, #tpu.memory_space<vmem>>, vector<1x16xf32>,
        %get3A_485 = arith.index_cast %add3A_414 : i32 to index
        %get3A_486 = arith.constant 112 : index
        %get3A_487 = tpu.vector_load %arg12[%get3A_485, %get3A_486] {strides = array<i32>} : memref<128x128xf32, #tpu.memory_space<vmem>>, vector<1x16xf32>,
        %get3A_488 = vector.shape_cast %get3A_487 : vector<1x16xf32> to vector<16xf32>
        %mul3A_489 = arith.mulf %get3A_488, %broadcast_in_dim3A_410 : vector<16xf32>
        %swap3A_490 = arith.index_cast %add3A_414 : i32 to index
        %swap3A_491 = arith.constant 112 : index
        %swap3A_492 = tpu.vector_load %arg12[%swap3A_490, %swap3A_491] {strides = array<i32>} : memref<128x128xf32, #tpu.memory_space<vmem>>, vector<1x16xf32>,
        %swap3A_493 = vector.shape_cast %swap3A_492 : vector<1x16xf32> to vector<16xf32>
        %swap3A_494 = vector.shape_cast %mul3A_489 : vector<16xf32> to vector<1x16xf32>
        tpu.vector_store %arg12[%swap3A_490, %swap3A_491], %swap3A_494 {strides = array<i32>} : memref<128x128xf32, #tpu.memory_space<vmem>>, vector<1x16xf32>,
        %slice3A_495 = vector.extract_strided_slice %get3A_63 {offsets = [5], sizes = [1], strides = [1]} : vector<16xf32> to vector<1xf32>
        %squeeze3A_496 = vector.extract %slice3A_495[0] : f32 from vector<1xf32>
        %broadcast_in_dim3A_497 = vector.broadcast %squeeze3A_496 : f32 to vector<16xf32>
        %mul3A_498 = arith.constant 16 : i32
        %mul3A_499 = arith.muli %scan3A_58, %mul3A_498 : i32
        %add3A_500 = arith.constant 5 : i32
        %add3A_501 = arith.addi %mul3A_499, %add3A_500 : i32
        %get3A_502 = arith.index_cast %add3A_501 : i32 to index
        %get3A_503 = arith.constant 0 : index
        %get3A_504 = tpu.vector_load %arg12[%get3A_502, %get3A_503] {strides = array<i32>} : memref<128x128xf32, #tpu.memory_space<vmem>>, vector<1x16xf32>,
        %get3A_505 = vector.shape_cast %get3A_504 : vector<1x16xf32> to vector<16xf32>
        %mul3A_506 = arith.mulf %get3A_505, %broadcast_in_dim3A_497 : vector<16xf32>
        %swap3A_507 = arith.index_cast %add3A_501 : i32 to index
        %swap3A_508 = arith.constant 0 : index
        %swap3A_509 = tpu.vector_load %arg12[%swap3A_507, %swap3A_508] {strides = array<i32>} : memref<128x128xf32, #tpu.memory_space<vmem>>, vector<1x16xf32>,
        %swap3A_510 = vector.shape_cast %swap3A_509 : vector<1x16xf32> to vector<16xf32>
        %swap3A_511 = vector.shape_cast %mul3A_506 : vector<16xf32> to vector<1x16xf32>
        tpu.vector_store %arg12[%swap3A_507, %swap3A_508], %swap3A_511 {strides = array<i32>} : memref<128x128xf32, #tpu.memory_space<vmem>>, vector<1x16xf32>,
        %get3A_512 = arith.index_cast %add3A_501 : i32 to index
        %get3A_513 = arith.constant 16 : index
        %get3A_514 = tpu.vector_load %arg12[%get3A_512, %get3A_513] {strides = array<i32>} : memref<128x128xf32, #tpu.memory_space<vmem>>, vector<1x16xf32>,
        %get3A_515 = vector.shape_cast %get3A_514 : vector<1x16xf32> to vector<16xf32>
        %mul3A_516 = arith.mulf %get3A_515, %broadcast_in_dim3A_497 : vector<16xf32>
        %swap3A_517 = arith.index_cast %add3A_501 : i32 to index
        %swap3A_518 = arith.constant 16 : index
        %swap3A_519 = tpu.vector_load %arg12[%swap3A_517, %swap3A_518] {strides = array<i32>} : memref<128x128xf32, #tpu.memory_space<vmem>>, vector<1x16xf32>,
        %swap3A_520 = vector.shape_cast %swap3A_519 : vector<1x16xf32> to vector<16xf32>
        %swap3A_521 = vector.shape_cast %mul3A_516 : vector<16xf32> to vector<1x16xf32>
        tpu.vector_store %arg12[%swap3A_517, %swap3A_518], %swap3A_521 {strides = array<i32>} : memref<128x128xf32, #tpu.memory_space<vmem>>, vector<1x16xf32>,
        %get3A_522 = arith.index_cast %add3A_501 : i32 to index
        %get3A_523 = arith.constant 32 : index
        %get3A_524 = tpu.vector_load %arg12[%get3A_522, %get3A_523] {strides = array<i32>} : memref<128x128xf32, #tpu.memory_space<vmem>>, vector<1x16xf32>,
        %get3A_525 = vector.shape_cast %get3A_524 : vector<1x16xf32> to vector<16xf32>
        %mul3A_526 = arith.mulf %get3A_525, %broadcast_in_dim3A_497 : vector<16xf32>
        %swap3A_527 = arith.index_cast %add3A_501 : i32 to index
        %swap3A_528 = arith.constant 32 : index
        %swap3A_529 = tpu.vector_load %arg12[%swap3A_527, %swap3A_528] {strides = array<i32>} : memref<128x128xf32, #tpu.memory_space<vmem>>, vector<1x16xf32>,
        %swap3A_530 = vector.shape_cast %swap3A_529 : vector<1x16xf32> to vector<16xf32>
        %swap3A_531 = vector.shape_cast %mul3A_526 : vector<16xf32> to vector<1x16xf32>
        tpu.vector_store %arg12[%swap3A_527, %swap3A_528], %swap3A_531 {strides = array<i32>} : memref<128x128xf32, #tpu.memory_space<vmem>>, vector<1x16xf32>,
        %get3A_532 = arith.index_cast %add3A_501 : i32 to index
        %get3A_533 = arith.constant 48 : index
        %get3A_534 = tpu.vector_load %arg12[%get3A_532, %get3A_533] {strides = array<i32>} : memref<128x128xf32, #tpu.memory_space<vmem>>, vector<1x16xf32>,
        %get3A_535 = vector.shape_cast %get3A_534 : vector<1x16xf32> to vector<16xf32>
        %mul3A_536 = arith.mulf %get3A_535, %broadcast_in_dim3A_497 : vector<16xf32>
        %swap3A_537 = arith.index_cast %add3A_501 : i32 to index
        %swap3A_538 = arith.constant 48 : index
        %swap3A_539 = tpu.vector_load %arg12[%swap3A_537, %swap3A_538] {strides = array<i32>} : memref<128x128xf32, #tpu.memory_space<vmem>>, vector<1x16xf32>,
        %swap3A_540 = vector.shape_cast %swap3A_539 : vector<1x16xf32> to vector<16xf32>
        %swap3A_541 = vector.shape_cast %mul3A_536 : vector<16xf32> to vector<1x16xf32>
        tpu.vector_store %arg12[%swap3A_537, %swap3A_538], %swap3A_541 {strides = array<i32>} : memref<128x128xf32, #tpu.memory_space<vmem>>, vector<1x16xf32>,
        %get3A_542 = arith.index_cast %add3A_501 : i32 to index
        %get3A_543 = arith.constant 64 : index
        %get3A_544 = tpu.vector_load %arg12[%get3A_542, %get3A_543] {strides = array<i32>} : memref<128x128xf32, #tpu.memory_space<vmem>>, vector<1x16xf32>,
        %get3A_545 = vector.shape_cast %get3A_544 : vector<1x16xf32> to vector<16xf32>
        %mul3A_546 = arith.mulf %get3A_545, %broadcast_in_dim3A_497 : vector<16xf32>
        %swap3A_547 = arith.index_cast %add3A_501 : i32 to index
        %swap3A_548 = arith.constant 64 : index
        %swap3A_549 = tpu.vector_load %arg12[%swap3A_547, %swap3A_548] {strides = array<i32>} : memref<128x128xf32, #tpu.memory_space<vmem>>, vector<1x16xf32>,
        %swap3A_550 = vector.shape_cast %swap3A_549 : vector<1x16xf32> to vector<16xf32>
        %swap3A_551 = vector.shape_cast %mul3A_546 : vector<16xf32> to vector<1x16xf32>
        tpu.vector_store %arg12[%swap3A_547, %swap3A_548], %swap3A_551 {strides = array<i32>} : memref<128x128xf32, #tpu.memory_space<vmem>>, vector<1x16xf32>,
        %get3A_552 = arith.index_cast %add3A_501 : i32 to index
        %get3A_553 = arith.constant 80 : index
        %get3A_554 = tpu.vector_load %arg12[%get3A_552, %get3A_553] {strides = array<i32>} : memref<128x128xf32, #tpu.memory_space<vmem>>, vector<1x16xf32>,
        %get3A_555 = vector.shape_cast %get3A_554 : vector<1x16xf32> to vector<16xf32>
        %mul3A_556 = arith.mulf %get3A_555, %broadcast_in_dim3A_497 : vector<16xf32>
        %swap3A_557 = arith.index_cast %add3A_501 : i32 to index
        %swap3A_558 = arith.constant 80 : index
        %swap3A_559 = tpu.vector_load %arg12[%swap3A_557, %swap3A_558] {strides = array<i32>} : memref<128x128xf32, #tpu.memory_space<vmem>>, vector<1x16xf32>,
        %swap3A_560 = vector.shape_cast %swap3A_559 : vector<1x16xf32> to vector<16xf32>
        %swap3A_561 = vector.shape_cast %mul3A_556 : vector<16xf32> to vector<1x16xf32>
        tpu.vector_store %arg12[%swap3A_557, %swap3A_558], %swap3A_561 {strides = array<i32>} : memref<128x128xf32, #tpu.memory_space<vmem>>, vector<1x16xf32>,
        %get3A_562 = arith.index_cast %add3A_501 : i32 to index
        %get3A_563 = arith.constant 96 : index
        %get3A_564 = tpu.vector_load %arg12[%get3A_562, %get3A_563] {strides = array<i32>} : memref<128x128xf32, #tpu.memory_space<vmem>>, vector<1x16xf32>,
        %get3A_565 = vector.shape_cast %get3A_564 : vector<1x16xf32> to vector<16xf32>
        %mul3A_566 = arith.mulf %get3A_565, %broadcast_in_dim3A_497 : vector<16xf32>
        %swap3A_567 = arith.index_cast %add3A_501 : i32 to index
        %swap3A_568 = arith.constant 96 : index
        %swap3A_569 = tpu.vector_load %arg12[%swap3A_567, %swap3A_568] {strides = array<i32>} : memref<128x128xf32, #tpu.memory_space<vmem>>, vector<1x16xf32>,
        %swap3A_570 = vector.shape_cast %swap3A_569 : vector<1x16xf32> to vector<16xf32>
        %swap3A_571 = vector.shape_cast %mul3A_566 : vector<16xf32> to vector<1x16xf32>
        tpu.vector_store %arg12[%swap3A_567, %swap3A_568], %swap3A_571 {strides = array<i32>} : memref<128x128xf32, #tpu.memory_space<vmem>>, vector<1x16xf32>,
        %get3A_572 = arith.index_cast %add3A_501 : i32 to index
        %get3A_573 = arith.constant 112 : index
        %get3A_574 = tpu.vector_load %arg12[%get3A_572, %get3A_573] {strides = array<i32>} : memref<128x128xf32, #tpu.memory_space<vmem>>, vector<1x16xf32>,
        %get3A_575 = vector.shape_cast %get3A_574 : vector<1x16xf32> to vector<16xf32>
        %mul3A_576 = arith.mulf %get3A_575, %broadcast_in_dim3A_497 : vector<16xf32>
        %swap3A_577 = arith.index_cast %add3A_501 : i32 to index
        %swap3A_578 = arith.constant 112 : index
        %swap3A_579 = tpu.vector_load %arg12[%swap3A_577, %swap3A_578] {strides = array<i32>} : memref<128x128xf32, #tpu.memory_space<vmem>>, vector<1x16xf32>,
        %swap3A_580 = vector.shape_cast %swap3A_579 : vector<1x16xf32> to vector<16xf32>
        %swap3A_581 = vector.shape_cast %mul3A_576 : vector<16xf32> to vector<1x16xf32>
        tpu.vector_store %arg12[%swap3A_577, %swap3A_578], %swap3A_581 {strides = array<i32>} : memref<128x128xf32, #tpu.memory_space<vmem>>, vector<1x16xf32>,
        %slice3A_582 = vector.extract_strided_slice %get3A_63 {offsets = [6], sizes = [1], strides = [1]} : vector<16xf32> to vector<1xf32>
        %squeeze3A_583 = vector.extract %slice3A_582[0] : f32 from vector<1xf32>
        %broadcast_in_dim3A_584 = vector.broadcast %squeeze3A_583 : f32 to vector<16xf32>
        %mul3A_585 = arith.constant 16 : i32
        %mul3A_586 = arith.muli %scan3A_58, %mul3A_585 : i32
        %add3A_587 = arith.constant 6 : i32
        %add3A_588 = arith.addi %mul3A_586, %add3A_587 : i32
        %get3A_589 = arith.index_cast %add3A_588 : i32 to index
        %get3A_590 = arith.constant 0 : index
        %get3A_591 = tpu.vector_load %arg12[%get3A_589, %get3A_590] {strides = array<i32>} : memref<128x128xf32, #tpu.memory_space<vmem>>, vector<1x16xf32>,
        %get3A_592 = vector.shape_cast %get3A_591 : vector<1x16xf32> to vector<16xf32>
        %mul3A_593 = arith.mulf %get3A_592, %broadcast_in_dim3A_584 : vector<16xf32>
        %swap3A_594 = arith.index_cast %add3A_588 : i32 to index
        %swap3A_595 = arith.constant 0 : index
        %swap3A_596 = tpu.vector_load %arg12[%swap3A_594, %swap3A_595] {strides = array<i32>} : memref<128x128xf32, #tpu.memory_space<vmem>>, vector<1x16xf32>,
        %swap3A_597 = vector.shape_cast %swap3A_596 : vector<1x16xf32> to vector<16xf32>
        %swap3A_598 = vector.shape_cast %mul3A_593 : vector<16xf32> to vector<1x16xf32>
        tpu.vector_store %arg12[%swap3A_594, %swap3A_595], %swap3A_598 {strides = array<i32>} : memref<128x128xf32, #tpu.memory_space<vmem>>, vector<1x16xf32>,
        %get3A_599 = arith.index_cast %add3A_588 : i32 to index
        %get3A_600 = arith.constant 16 : index
        %get3A_601 = tpu.vector_load %arg12[%get3A_599, %get3A_600] {strides = array<i32>} : memref<128x128xf32, #tpu.memory_space<vmem>>, vector<1x16xf32>,
        %get3A_602 = vector.shape_cast %get3A_601 : vector<1x16xf32> to vector<16xf32>
        %mul3A_603 = arith.mulf %get3A_602, %broadcast_in_dim3A_584 : vector<16xf32>
        %swap3A_604 = arith.index_cast %add3A_588 : i32 to index
        %swap3A_605 = arith.constant 16 : index
        %swap3A_606 = tpu.vector_load %arg12[%swap3A_604, %swap3A_605] {strides = array<i32>} : memref<128x128xf32, #tpu.memory_space<vmem>>, vector<1x16xf32>,
        %swap3A_607 = vector.shape_cast %swap3A_606 : vector<1x16xf32> to vector<16xf32>
        %swap3A_608 = vector.shape_cast %mul3A_603 : vector<16xf32> to vector<1x16xf32>
        tpu.vector_store %arg12[%swap3A_604, %swap3A_605], %swap3A_608 {strides = array<i32>} : memref<128x128xf32, #tpu.memory_space<vmem>>, vector<1x16xf32>,
        %get3A_609 = arith.index_cast %add3A_588 : i32 to index
        %get3A_610 = arith.constant 32 : index
        %get3A_611 = tpu.vector_load %arg12[%get3A_609, %get3A_610] {strides = array<i32>} : memref<128x128xf32, #tpu.memory_space<vmem>>, vector<1x16xf32>,
        %get3A_612 = vector.shape_cast %get3A_611 : vector<1x16xf32> to vector<16xf32>
        %mul3A_613 = arith.mulf %get3A_612, %broadcast_in_dim3A_584 : vector<16xf32>
        %swap3A_614 = arith.index_cast %add3A_588 : i32 to index
        %swap3A_615 = arith.constant 32 : index
        %swap3A_616 = tpu.vector_load %arg12[%swap3A_614, %swap3A_615] {strides = array<i32>} : memref<128x128xf32, #tpu.memory_space<vmem>>, vector<1x16xf32>,
        %swap3A_617 = vector.shape_cast %swap3A_616 : vector<1x16xf32> to vector<16xf32>
        %swap3A_618 = vector.shape_cast %mul3A_613 : vector<16xf32> to vector<1x16xf32>
        tpu.vector_store %arg12[%swap3A_614, %swap3A_615], %swap3A_618 {strides = array<i32>} : memref<128x128xf32, #tpu.memory_space<vmem>>, vector<1x16xf32>,
        %get3A_619 = arith.index_cast %add3A_588 : i32 to index
        %get3A_620 = arith.constant 48 : index
        %get3A_621 = tpu.vector_load %arg12[%get3A_619, %get3A_620] {strides = array<i32>} : memref<128x128xf32, #tpu.memory_space<vmem>>, vector<1x16xf32>,
        %get3A_622 = vector.shape_cast %get3A_621 : vector<1x16xf32> to vector<16xf32>
        %mul3A_623 = arith.mulf %get3A_622, %broadcast_in_dim3A_584 : vector<16xf32>
        %swap3A_624 = arith.index_cast %add3A_588 : i32 to index
        %swap3A_625 = arith.constant 48 : index
        %swap3A_626 = tpu.vector_load %arg12[%swap3A_624, %swap3A_625] {strides = array<i32>} : memref<128x128xf32, #tpu.memory_space<vmem>>, vector<1x16xf32>,
        %swap3A_627 = vector.shape_cast %swap3A_626 : vector<1x16xf32> to vector<16xf32>
        %swap3A_628 = vector.shape_cast %mul3A_623 : vector<16xf32> to vector<1x16xf32>
        tpu.vector_store %arg12[%swap3A_624, %swap3A_625], %swap3A_628 {strides = array<i32>} : memref<128x128xf32, #tpu.memory_space<vmem>>, vector<1x16xf32>,
        %get3A_629 = arith.index_cast %add3A_588 : i32 to index
        %get3A_630 = arith.constant 64 : index
        %get3A_631 = tpu.vector_load %arg12[%get3A_629, %get3A_630] {strides = array<i32>} : memref<128x128xf32, #tpu.memory_space<vmem>>, vector<1x16xf32>,
        %get3A_632 = vector.shape_cast %get3A_631 : vector<1x16xf32> to vector<16xf32>
        %mul3A_633 = arith.mulf %get3A_632, %broadcast_in_dim3A_584 : vector<16xf32>
        %swap3A_634 = arith.index_cast %add3A_588 : i32 to index
        %swap3A_635 = arith.constant 64 : index
        %swap3A_636 = tpu.vector_load %arg12[%swap3A_634, %swap3A_635] {strides = array<i32>} : memref<128x128xf32, #tpu.memory_space<vmem>>, vector<1x16xf32>,
        %swap3A_637 = vector.shape_cast %swap3A_636 : vector<1x16xf32> to vector<16xf32>
        %swap3A_638 = vector.shape_cast %mul3A_633 : vector<16xf32> to vector<1x16xf32>
        tpu.vector_store %arg12[%swap3A_634, %swap3A_635], %swap3A_638 {strides = array<i32>} : memref<128x128xf32, #tpu.memory_space<vmem>>, vector<1x16xf32>,
        %get3A_639 = arith.index_cast %add3A_588 : i32 to index
        %get3A_640 = arith.constant 80 : index
        %get3A_641 = tpu.vector_load %arg12[%get3A_639, %get3A_640] {strides = array<i32>} : memref<128x128xf32, #tpu.memory_space<vmem>>, vector<1x16xf32>,
        %get3A_642 = vector.shape_cast %get3A_641 : vector<1x16xf32> to vector<16xf32>
        %mul3A_643 = arith.mulf %get3A_642, %broadcast_in_dim3A_584 : vector<16xf32>
        %swap3A_644 = arith.index_cast %add3A_588 : i32 to index
        %swap3A_645 = arith.constant 80 : index
        %swap3A_646 = tpu.vector_load %arg12[%swap3A_644, %swap3A_645] {strides = array<i32>} : memref<128x128xf32, #tpu.memory_space<vmem>>, vector<1x16xf32>,
        %swap3A_647 = vector.shape_cast %swap3A_646 : vector<1x16xf32> to vector<16xf32>
        %swap3A_648 = vector.shape_cast %mul3A_643 : vector<16xf32> to vector<1x16xf32>
        tpu.vector_store %arg12[%swap3A_644, %swap3A_645], %swap3A_648 {strides = array<i32>} : memref<128x128xf32, #tpu.memory_space<vmem>>, vector<1x16xf32>,
        %get3A_649 = arith.index_cast %add3A_588 : i32 to index
        %get3A_650 = arith.constant 96 : index
        %get3A_651 = tpu.vector_load %arg12[%get3A_649, %get3A_650] {strides = array<i32>} : memref<128x128xf32, #tpu.memory_space<vmem>>, vector<1x16xf32>,
        %get3A_652 = vector.shape_cast %get3A_651 : vector<1x16xf32> to vector<16xf32>
        %mul3A_653 = arith.mulf %get3A_652, %broadcast_in_dim3A_584 : vector<16xf32>
        %swap3A_654 = arith.index_cast %add3A_588 : i32 to index
        %swap3A_655 = arith.constant 96 : index
        %swap3A_656 = tpu.vector_load %arg12[%swap3A_654, %swap3A_655] {strides = array<i32>} : memref<128x128xf32, #tpu.memory_space<vmem>>, vector<1x16xf32>,
        %swap3A_657 = vector.shape_cast %swap3A_656 : vector<1x16xf32> to vector<16xf32>
        %swap3A_658 = vector.shape_cast %mul3A_653 : vector<16xf32> to vector<1x16xf32>
        tpu.vector_store %arg12[%swap3A_654, %swap3A_655], %swap3A_658 {strides = array<i32>} : memref<128x128xf32, #tpu.memory_space<vmem>>, vector<1x16xf32>,
        %get3A_659 = arith.index_cast %add3A_588 : i32 to index
        %get3A_660 = arith.constant 112 : index
        %get3A_661 = tpu.vector_load %arg12[%get3A_659, %get3A_660] {strides = array<i32>} : memref<128x128xf32, #tpu.memory_space<vmem>>, vector<1x16xf32>,
        %get3A_662 = vector.shape_cast %get3A_661 : vector<1x16xf32> to vector<16xf32>
        %mul3A_663 = arith.mulf %get3A_662, %broadcast_in_dim3A_584 : vector<16xf32>
        %swap3A_664 = arith.index_cast %add3A_588 : i32 to index
        %swap3A_665 = arith.constant 112 : index
        %swap3A_666 = tpu.vector_load %arg12[%swap3A_664, %swap3A_665] {strides = array<i32>} : memref<128x128xf32, #tpu.memory_space<vmem>>, vector<1x16xf32>,
        %swap3A_667 = vector.shape_cast %swap3A_666 : vector<1x16xf32> to vector<16xf32>
        %swap3A_668 = vector.shape_cast %mul3A_663 : vector<16xf32> to vector<1x16xf32>
        tpu.vector_store %arg12[%swap3A_664, %swap3A_665], %swap3A_668 {strides = array<i32>} : memref<128x128xf32, #tpu.memory_space<vmem>>, vector<1x16xf32>,
        %slice3A_669 = vector.extract_strided_slice %get3A_63 {offsets = [7], sizes = [1], strides = [1]} : vector<16xf32> to vector<1xf32>
        %squeeze3A_670 = vector.extract %slice3A_669[0] : f32 from vector<1xf32>
        %broadcast_in_dim3A_671 = vector.broadcast %squeeze3A_670 : f32 to vector<16xf32>
        %mul3A_672 = arith.constant 16 : i32
        %mul3A_673 = arith.muli %scan3A_58, %mul3A_672 : i32
        %add3A_674 = arith.constant 7 : i32
        %add3A_675 = arith.addi %mul3A_673, %add3A_674 : i32
        %get3A_676 = arith.index_cast %add3A_675 : i32 to index
        %get3A_677 = arith.constant 0 : index
        %get3A_678 = tpu.vector_load %arg12[%get3A_676, %get3A_677] {strides = array<i32>} : memref<128x128xf32, #tpu.memory_space<vmem>>, vector<1x16xf32>,
        %get3A_679 = vector.shape_cast %get3A_678 : vector<1x16xf32> to vector<16xf32>
        %mul3A_680 = arith.mulf %get3A_679, %broadcast_in_dim3A_671 : vector<16xf32>
        %swap3A_681 = arith.index_cast %add3A_675 : i32 to index
        %swap3A_682 = arith.constant 0 : index
        %swap3A_683 = tpu.vector_load %arg12[%swap3A_681, %swap3A_682] {strides = array<i32>} : memref<128x128xf32, #tpu.memory_space<vmem>>, vector<1x16xf32>,
        %swap3A_684 = vector.shape_cast %swap3A_683 : vector<1x16xf32> to vector<16xf32>
        %swap3A_685 = vector.shape_cast %mul3A_680 : vector<16xf32> to vector<1x16xf32>
        tpu.vector_store %arg12[%swap3A_681, %swap3A_682], %swap3A_685 {strides = array<i32>} : memref<128x128xf32, #tpu.memory_space<vmem>>, vector<1x16xf32>,
        %get3A_686 = arith.index_cast %add3A_675 : i32 to index
        %get3A_687 = arith.constant 16 : index
        %get3A_688 = tpu.vector_load %arg12[%get3A_686, %get3A_687] {strides = array<i32>} : memref<128x128xf32, #tpu.memory_space<vmem>>, vector<1x16xf32>,
        %get3A_689 = vector.shape_cast %get3A_688 : vector<1x16xf32> to vector<16xf32>
        %mul3A_690 = arith.mulf %get3A_689, %broadcast_in_dim3A_671 : vector<16xf32>
        %swap3A_691 = arith.index_cast %add3A_675 : i32 to index
        %swap3A_692 = arith.constant 16 : index
        %swap3A_693 = tpu.vector_load %arg12[%swap3A_691, %swap3A_692] {strides = array<i32>} : memref<128x128xf32, #tpu.memory_space<vmem>>, vector<1x16xf32>,
        %swap3A_694 = vector.shape_cast %swap3A_693 : vector<1x16xf32> to vector<16xf32>
        %swap3A_695 = vector.shape_cast %mul3A_690 : vector<16xf32> to vector<1x16xf32>
        tpu.vector_store %arg12[%swap3A_691, %swap3A_692], %swap3A_695 {strides = array<i32>} : memref<128x128xf32, #tpu.memory_space<vmem>>, vector<1x16xf32>,
        %get3A_696 = arith.index_cast %add3A_675 : i32 to index
        %get3A_697 = arith.constant 32 : index
        %get3A_698 = tpu.vector_load %arg12[%get3A_696, %get3A_697] {strides = array<i32>} : memref<128x128xf32, #tpu.memory_space<vmem>>, vector<1x16xf32>,
        %get3A_699 = vector.shape_cast %get3A_698 : vector<1x16xf32> to vector<16xf32>
        %mul3A_700 = arith.mulf %get3A_699, %broadcast_in_dim3A_671 : vector<16xf32>
        %swap3A_701 = arith.index_cast %add3A_675 : i32 to index
        %swap3A_702 = arith.constant 32 : index
        %swap3A_703 = tpu.vector_load %arg12[%swap3A_701, %swap3A_702] {strides = array<i32>} : memref<128x128xf32, #tpu.memory_space<vmem>>, vector<1x16xf32>,
        %swap3A_704 = vector.shape_cast %swap3A_703 : vector<1x16xf32> to vector<16xf32>
        %swap3A_705 = vector.shape_cast %mul3A_700 : vector<16xf32> to vector<1x16xf32>
        tpu.vector_store %arg12[%swap3A_701, %swap3A_702], %swap3A_705 {strides = array<i32>} : memref<128x128xf32, #tpu.memory_space<vmem>>, vector<1x16xf32>,
        %get3A_706 = arith.index_cast %add3A_675 : i32 to index
        %get3A_707 = arith.constant 48 : index
        %get3A_708 = tpu.vector_load %arg12[%get3A_706, %get3A_707] {strides = array<i32>} : memref<128x128xf32, #tpu.memory_space<vmem>>, vector<1x16xf32>,
        %get3A_709 = vector.shape_cast %get3A_708 : vector<1x16xf32> to vector<16xf32>
        %mul3A_710 = arith.mulf %get3A_709, %broadcast_in_dim3A_671 : vector<16xf32>
        %swap3A_711 = arith.index_cast %add3A_675 : i32 to index
        %swap3A_712 = arith.constant 48 : index
        %swap3A_713 = tpu.vector_load %arg12[%swap3A_711, %swap3A_712] {strides = array<i32>} : memref<128x128xf32, #tpu.memory_space<vmem>>, vector<1x16xf32>,
        %swap3A_714 = vector.shape_cast %swap3A_713 : vector<1x16xf32> to vector<16xf32>
        %swap3A_715 = vector.shape_cast %mul3A_710 : vector<16xf32> to vector<1x16xf32>
        tpu.vector_store %arg12[%swap3A_711, %swap3A_712], %swap3A_715 {strides = array<i32>} : memref<128x128xf32, #tpu.memory_space<vmem>>, vector<1x16xf32>,
        %get3A_716 = arith.index_cast %add3A_675 : i32 to index
        %get3A_717 = arith.constant 64 : index
        %get3A_718 = tpu.vector_load %arg12[%get3A_716, %get3A_717] {strides = array<i32>} : memref<128x128xf32, #tpu.memory_space<vmem>>, vector<1x16xf32>,
        %get3A_719 = vector.shape_cast %get3A_718 : vector<1x16xf32> to vector<16xf32>
        %mul3A_720 = arith.mulf %get3A_719, %broadcast_in_dim3A_671 : vector<16xf32>
        %swap3A_721 = arith.index_cast %add3A_675 : i32 to index
        %swap3A_722 = arith.constant 64 : index
        %swap3A_723 = tpu.vector_load %arg12[%swap3A_721, %swap3A_722] {strides = array<i32>} : memref<128x128xf32, #tpu.memory_space<vmem>>, vector<1x16xf32>,
        %swap3A_724 = vector.shape_cast %swap3A_723 : vector<1x16xf32> to vector<16xf32>
        %swap3A_725 = vector.shape_cast %mul3A_720 : vector<16xf32> to vector<1x16xf32>
        tpu.vector_store %arg12[%swap3A_721, %swap3A_722], %swap3A_725 {strides = array<i32>} : memref<128x128xf32, #tpu.memory_space<vmem>>, vector<1x16xf32>,
        %get3A_726 = arith.index_cast %add3A_675 : i32 to index
        %get3A_727 = arith.constant 80 : index
        %get3A_728 = tpu.vector_load %arg12[%get3A_726, %get3A_727] {strides = array<i32>} : memref<128x128xf32, #tpu.memory_space<vmem>>, vector<1x16xf32>,
        %get3A_729 = vector.shape_cast %get3A_728 : vector<1x16xf32> to vector<16xf32>
        %mul3A_730 = arith.mulf %get3A_729, %broadcast_in_dim3A_671 : vector<16xf32>
        %swap3A_731 = arith.index_cast %add3A_675 : i32 to index
        %swap3A_732 = arith.constant 80 : index
        %swap3A_733 = tpu.vector_load %arg12[%swap3A_731, %swap3A_732] {strides = array<i32>} : memref<128x128xf32, #tpu.memory_space<vmem>>, vector<1x16xf32>,
        %swap3A_734 = vector.shape_cast %swap3A_733 : vector<1x16xf32> to vector<16xf32>
        %swap3A_735 = vector.shape_cast %mul3A_730 : vector<16xf32> to vector<1x16xf32>
        tpu.vector_store %arg12[%swap3A_731, %swap3A_732], %swap3A_735 {strides = array<i32>} : memref<128x128xf32, #tpu.memory_space<vmem>>, vector<1x16xf32>,
        %get3A_736 = arith.index_cast %add3A_675 : i32 to index
        %get3A_737 = arith.constant 96 : index
        %get3A_738 = tpu.vector_load %arg12[%get3A_736, %get3A_737] {strides = array<i32>} : memref<128x128xf32, #tpu.memory_space<vmem>>, vector<1x16xf32>,
        %get3A_739 = vector.shape_cast %get3A_738 : vector<1x16xf32> to vector<16xf32>
        %mul3A_740 = arith.mulf %get3A_739, %broadcast_in_dim3A_671 : vector<16xf32>
        %swap3A_741 = arith.index_cast %add3A_675 : i32 to index
        %swap3A_742 = arith.constant 96 : index
        %swap3A_743 = tpu.vector_load %arg12[%swap3A_741, %swap3A_742] {strides = array<i32>} : memref<128x128xf32, #tpu.memory_space<vmem>>, vector<1x16xf32>,
        %swap3A_744 = vector.shape_cast %swap3A_743 : vector<1x16xf32> to vector<16xf32>
        %swap3A_745 = vector.shape_cast %mul3A_740 : vector<16xf32> to vector<1x16xf32>
        tpu.vector_store %arg12[%swap3A_741, %swap3A_742], %swap3A_745 {strides = array<i32>} : memref<128x128xf32, #tpu.memory_space<vmem>>, vector<1x16xf32>,
        %get3A_746 = arith.index_cast %add3A_675 : i32 to index
        %get3A_747 = arith.constant 112 : index
        %get3A_748 = tpu.vector_load %arg12[%get3A_746, %get3A_747] {strides = array<i32>} : memref<128x128xf32, #tpu.memory_space<vmem>>, vector<1x16xf32>,
        %get3A_749 = vector.shape_cast %get3A_748 : vector<1x16xf32> to vector<16xf32>
        %mul3A_750 = arith.mulf %get3A_749, %broadcast_in_dim3A_671 : vector<16xf32>
        %swap3A_751 = arith.index_cast %add3A_675 : i32 to index
        %swap3A_752 = arith.constant 112 : index
        %swap3A_753 = tpu.vector_load %arg12[%swap3A_751, %swap3A_752] {strides = array<i32>} : memref<128x128xf32, #tpu.memory_space<vmem>>, vector<1x16xf32>,
        %swap3A_754 = vector.shape_cast %swap3A_753 : vector<1x16xf32> to vector<16xf32>
        %swap3A_755 = vector.shape_cast %mul3A_750 : vector<16xf32> to vector<1x16xf32>
        tpu.vector_store %arg12[%swap3A_751, %swap3A_752], %swap3A_755 {strides = array<i32>} : memref<128x128xf32, #tpu.memory_space<vmem>>, vector<1x16xf32>,
        %slice3A_756 = vector.extract_strided_slice %get3A_63 {offsets = [8], sizes = [1], strides = [1]} : vector<16xf32> to vector<1xf32>
        %squeeze3A_757 = vector.extract %slice3A_756[0] : f32 from vector<1xf32>
        %broadcast_in_dim3A_758 = vector.broadcast %squeeze3A_757 : f32 to vector<16xf32>
        %mul3A_759 = arith.constant 16 : i32
        %mul3A_760 = arith.muli %scan3A_58, %mul3A_759 : i32
        %add3A_761 = arith.constant 8 : i32
        %add3A_762 = arith.addi %mul3A_760, %add3A_761 : i32
        %get3A_763 = arith.index_cast %add3A_762 : i32 to index
        %get3A_764 = arith.constant 0 : index
        %get3A_765 = tpu.vector_load %arg12[%get3A_763, %get3A_764] {strides = array<i32>} : memref<128x128xf32, #tpu.memory_space<vmem>>, vector<1x16xf32>,
        %get3A_766 = vector.shape_cast %get3A_765 : vector<1x16xf32> to vector<16xf32>
        %mul3A_767 = arith.mulf %get3A_766, %broadcast_in_dim3A_758 : vector<16xf32>
        %swap3A_768 = arith.index_cast %add3A_762 : i32 to index
        %swap3A_769 = arith.constant 0 : index
        %swap3A_770 = tpu.vector_load %arg12[%swap3A_768, %swap3A_769] {strides = array<i32>} : memref<128x128xf32, #tpu.memory_space<vmem>>, vector<1x16xf32>,
        %swap3A_771 = vector.shape_cast %swap3A_770 : vector<1x16xf32> to vector<16xf32>
        %swap3A_772 = vector.shape_cast %mul3A_767 : vector<16xf32> to vector<1x16xf32>
        tpu.vector_store %arg12[%swap3A_768, %swap3A_769], %swap3A_772 {strides = array<i32>} : memref<128x128xf32, #tpu.memory_space<vmem>>, vector<1x16xf32>,
        %get3A_773 = arith.index_cast %add3A_762 : i32 to index
        %get3A_774 = arith.constant 16 : index
        %get3A_775 = tpu.vector_load %arg12[%get3A_773, %get3A_774] {strides = array<i32>} : memref<128x128xf32, #tpu.memory_space<vmem>>, vector<1x16xf32>,
        %get3A_776 = vector.shape_cast %get3A_775 : vector<1x16xf32> to vector<16xf32>
        %mul3A_777 = arith.mulf %get3A_776, %broadcast_in_dim3A_758 : vector<16xf32>
        %swap3A_778 = arith.index_cast %add3A_762 : i32 to index
        %swap3A_779 = arith.constant 16 : index
        %swap3A_780 = tpu.vector_load %arg12[%swap3A_778, %swap3A_779] {strides = array<i32>} : memref<128x128xf32, #tpu.memory_space<vmem>>, vector<1x16xf32>,
        %swap3A_781 = vector.shape_cast %swap3A_780 : vector<1x16xf32> to vector<16xf32>
        %swap3A_782 = vector.shape_cast %mul3A_777 : vector<16xf32> to vector<1x16xf32>
        tpu.vector_store %arg12[%swap3A_778, %swap3A_779], %swap3A_782 {strides = array<i32>} : memref<128x128xf32, #tpu.memory_space<vmem>>, vector<1x16xf32>,
        %get3A_783 = arith.index_cast %add3A_762 : i32 to index
        %get3A_784 = arith.constant 32 : index
        %get3A_785 = tpu.vector_load %arg12[%get3A_783, %get3A_784] {strides = array<i32>} : memref<128x128xf32, #tpu.memory_space<vmem>>, vector<1x16xf32>,
        %get3A_786 = vector.shape_cast %get3A_785 : vector<1x16xf32> to vector<16xf32>
        %mul3A_787 = arith.mulf %get3A_786, %broadcast_in_dim3A_758 : vector<16xf32>
        %swap3A_788 = arith.index_cast %add3A_762 : i32 to index
        %swap3A_789 = arith.constant 32 : index
        %swap3A_790 = tpu.vector_load %arg12[%swap3A_788, %swap3A_789] {strides = array<i32>} : memref<128x128xf32, #tpu.memory_space<vmem>>, vector<1x16xf32>,
        %swap3A_791 = vector.shape_cast %swap3A_790 : vector<1x16xf32> to vector<16xf32>
        %swap3A_792 = vector.shape_cast %mul3A_787 : vector<16xf32> to vector<1x16xf32>
        tpu.vector_store %arg12[%swap3A_788, %swap3A_789], %swap3A_792 {strides = array<i32>} : memref<128x128xf32, #tpu.memory_space<vmem>>, vector<1x16xf32>,
        %get3A_793 = arith.index_cast %add3A_762 : i32 to index
        %get3A_794 = arith.constant 48 : index
        %get3A_795 = tpu.vector_load %arg12[%get3A_793, %get3A_794] {strides = array<i32>} : memref<128x128xf32, #tpu.memory_space<vmem>>, vector<1x16xf32>,
        %get3A_796 = vector.shape_cast %get3A_795 : vector<1x16xf32> to vector<16xf32>
        %mul3A_797 = arith.mulf %get3A_796, %broadcast_in_dim3A_758 : vector<16xf32>
        %swap3A_798 = arith.index_cast %add3A_762 : i32 to index
        %swap3A_799 = arith.constant 48 : index
        %swap3A_800 = tpu.vector_load %arg12[%swap3A_798, %swap3A_799] {strides = array<i32>} : memref<128x128xf32, #tpu.memory_space<vmem>>, vector<1x16xf32>,
        %swap3A_801 = vector.shape_cast %swap3A_800 : vector<1x16xf32> to vector<16xf32>
        %swap3A_802 = vector.shape_cast %mul3A_797 : vector<16xf32> to vector<1x16xf32>
        tpu.vector_store %arg12[%swap3A_798, %swap3A_799], %swap3A_802 {strides = array<i32>} : memref<128x128xf32, #tpu.memory_space<vmem>>, vector<1x16xf32>,
        %get3A_803 = arith.index_cast %add3A_762 : i32 to index
        %get3A_804 = arith.constant 64 : index
        %get3A_805 = tpu.vector_load %arg12[%get3A_803, %get3A_804] {strides = array<i32>} : memref<128x128xf32, #tpu.memory_space<vmem>>, vector<1x16xf32>,
        %get3A_806 = vector.shape_cast %get3A_805 : vector<1x16xf32> to vector<16xf32>
        %mul3A_807 = arith.mulf %get3A_806, %broadcast_in_dim3A_758 : vector<16xf32>
        %swap3A_808 = arith.index_cast %add3A_762 : i32 to index
        %swap3A_809 = arith.constant 64 : index
        %swap3A_810 = tpu.vector_load %arg12[%swap3A_808, %swap3A_809] {strides = array<i32>} : memref<128x128xf32, #tpu.memory_space<vmem>>, vector<1x16xf32>,
        %swap3A_811 = vector.shape_cast %swap3A_810 : vector<1x16xf32> to vector<16xf32>
        %swap3A_812 = vector.shape_cast %mul3A_807 : vector<16xf32> to vector<1x16xf32>
        tpu.vector_store %arg12[%swap3A_808, %swap3A_809], %swap3A_812 {strides = array<i32>} : memref<128x128xf32, #tpu.memory_space<vmem>>, vector<1x16xf32>,
        %get3A_813 = arith.index_cast %add3A_762 : i32 to index
        %get3A_814 = arith.constant 80 : index
        %get3A_815 = tpu.vector_load %arg12[%get3A_813, %get3A_814] {strides = array<i32>} : memref<128x128xf32, #tpu.memory_space<vmem>>, vector<1x16xf32>,
        %get3A_816 = vector.shape_cast %get3A_815 : vector<1x16xf32> to vector<16xf32>
        %mul3A_817 = arith.mulf %get3A_816, %broadcast_in_dim3A_758 : vector<16xf32>
        %swap3A_818 = arith.index_cast %add3A_762 : i32 to index
        %swap3A_819 = arith.constant 80 : index
        %swap3A_820 = tpu.vector_load %arg12[%swap3A_818, %swap3A_819] {strides = array<i32>} : memref<128x128xf32, #tpu.memory_space<vmem>>, vector<1x16xf32>,
        %swap3A_821 = vector.shape_cast %swap3A_820 : vector<1x16xf32> to vector<16xf32>
        %swap3A_822 = vector.shape_cast %mul3A_817 : vector<16xf32> to vector<1x16xf32>
        tpu.vector_store %arg12[%swap3A_818, %swap3A_819], %swap3A_822 {strides = array<i32>} : memref<128x128xf32, #tpu.memory_space<vmem>>, vector<1x16xf32>,
        %get3A_823 = arith.index_cast %add3A_762 : i32 to index
        %get3A_824 = arith.constant 96 : index
        %get3A_825 = tpu.vector_load %arg12[%get3A_823, %get3A_824] {strides = array<i32>} : memref<128x128xf32, #tpu.memory_space<vmem>>, vector<1x16xf32>,
        %get3A_826 = vector.shape_cast %get3A_825 : vector<1x16xf32> to vector<16xf32>
        %mul3A_827 = arith.mulf %get3A_826, %broadcast_in_dim3A_758 : vector<16xf32>
        %swap3A_828 = arith.index_cast %add3A_762 : i32 to index
        %swap3A_829 = arith.constant 96 : index
        %swap3A_830 = tpu.vector_load %arg12[%swap3A_828, %swap3A_829] {strides = array<i32>} : memref<128x128xf32, #tpu.memory_space<vmem>>, vector<1x16xf32>,
        %swap3A_831 = vector.shape_cast %swap3A_830 : vector<1x16xf32> to vector<16xf32>
        %swap3A_832 = vector.shape_cast %mul3A_827 : vector<16xf32> to vector<1x16xf32>
        tpu.vector_store %arg12[%swap3A_828, %swap3A_829], %swap3A_832 {strides = array<i32>} : memref<128x128xf32, #tpu.memory_space<vmem>>, vector<1x16xf32>,
        %get3A_833 = arith.index_cast %add3A_762 : i32 to index
        %get3A_834 = arith.constant 112 : index
        %get3A_835 = tpu.vector_load %arg12[%get3A_833, %get3A_834] {strides = array<i32>} : memref<128x128xf32, #tpu.memory_space<vmem>>, vector<1x16xf32>,
        %get3A_836 = vector.shape_cast %get3A_835 : vector<1x16xf32> to vector<16xf32>
        %mul3A_837 = arith.mulf %get3A_836, %broadcast_in_dim3A_758 : vector<16xf32>
        %swap3A_838 = arith.index_cast %add3A_762 : i32 to index
        %swap3A_839 = arith.constant 112 : index
        %swap3A_840 = tpu.vector_load %arg12[%swap3A_838, %swap3A_839] {strides = array<i32>} : memref<128x128xf32, #tpu.memory_space<vmem>>, vector<1x16xf32>,
        %swap3A_841 = vector.shape_cast %swap3A_840 : vector<1x16xf32> to vector<16xf32>
        %swap3A_842 = vector.shape_cast %mul3A_837 : vector<16xf32> to vector<1x16xf32>
        tpu.vector_store %arg12[%swap3A_838, %swap3A_839], %swap3A_842 {strides = array<i32>} : memref<128x128xf32, #tpu.memory_space<vmem>>, vector<1x16xf32>,
        %slice3A_843 = vector.extract_strided_slice %get3A_63 {offsets = [9], sizes = [1], strides = [1]} : vector<16xf32> to vector<1xf32>
        %squeeze3A_844 = vector.extract %slice3A_843[0] : f32 from vector<1xf32>
        %broadcast_in_dim3A_845 = vector.broadcast %squeeze3A_844 : f32 to vector<16xf32>
        %mul3A_846 = arith.constant 16 : i32
        %mul3A_847 = arith.muli %scan3A_58, %mul3A_846 : i32
        %add3A_848 = arith.constant 9 : i32
        %add3A_849 = arith.addi %mul3A_847, %add3A_848 : i32
        %get3A_850 = arith.index_cast %add3A_849 : i32 to index
        %get3A_851 = arith.constant 0 : index
        %get3A_852 = tpu.vector_load %arg12[%get3A_850, %get3A_851] {strides = array<i32>} : memref<128x128xf32, #tpu.memory_space<vmem>>, vector<1x16xf32>,
        %get3A_853 = vector.shape_cast %get3A_852 : vector<1x16xf32> to vector<16xf32>
        %mul3A_854 = arith.mulf %get3A_853, %broadcast_in_dim3A_845 : vector<16xf32>
        %swap3A_855 = arith.index_cast %add3A_849 : i32 to index
        %swap3A_856 = arith.constant 0 : index
        %swap3A_857 = tpu.vector_load %arg12[%swap3A_855, %swap3A_856] {strides = array<i32>} : memref<128x128xf32, #tpu.memory_space<vmem>>, vector<1x16xf32>,
        %swap3A_858 = vector.shape_cast %swap3A_857 : vector<1x16xf32> to vector<16xf32>
        %swap3A_859 = vector.shape_cast %mul3A_854 : vector<16xf32> to vector<1x16xf32>
        tpu.vector_store %arg12[%swap3A_855, %swap3A_856], %swap3A_859 {strides = array<i32>} : memref<128x128xf32, #tpu.memory_space<vmem>>, vector<1x16xf32>,
        %get3A_860 = arith.index_cast %add3A_849 : i32 to index
        %get3A_861 = arith.constant 16 : index
        %get3A_862 = tpu.vector_load %arg12[%get3A_860, %get3A_861] {strides = array<i32>} : memref<128x128xf32, #tpu.memory_space<vmem>>, vector<1x16xf32>,
        %get3A_863 = vector.shape_cast %get3A_862 : vector<1x16xf32> to vector<16xf32>
        %mul3A_864 = arith.mulf %get3A_863, %broadcast_in_dim3A_845 : vector<16xf32>
        %swap3A_865 = arith.index_cast %add3A_849 : i32 to index
        %swap3A_866 = arith.constant 16 : index
        %swap3A_867 = tpu.vector_load %arg12[%swap3A_865, %swap3A_866] {strides = array<i32>} : memref<128x128xf32, #tpu.memory_space<vmem>>, vector<1x16xf32>,
        %swap3A_868 = vector.shape_cast %swap3A_867 : vector<1x16xf32> to vector<16xf32>
        %swap3A_869 = vector.shape_cast %mul3A_864 : vector<16xf32> to vector<1x16xf32>
        tpu.vector_store %arg12[%swap3A_865, %swap3A_866], %swap3A_869 {strides = array<i32>} : memref<128x128xf32, #tpu.memory_space<vmem>>, vector<1x16xf32>,
        %get3A_870 = arith.index_cast %add3A_849 : i32 to index
        %get3A_871 = arith.constant 32 : index
        %get3A_872 = tpu.vector_load %arg12[%get3A_870, %get3A_871] {strides = array<i32>} : memref<128x128xf32, #tpu.memory_space<vmem>>, vector<1x16xf32>,
        %get3A_873 = vector.shape_cast %get3A_872 : vector<1x16xf32> to vector<16xf32>
        %mul3A_874 = arith.mulf %get3A_873, %broadcast_in_dim3A_845 : vector<16xf32>
        %swap3A_875 = arith.index_cast %add3A_849 : i32 to index
        %swap3A_876 = arith.constant 32 : index
        %swap3A_877 = tpu.vector_load %arg12[%swap3A_875, %swap3A_876] {strides = array<i32>} : memref<128x128xf32, #tpu.memory_space<vmem>>, vector<1x16xf32>,
        %swap3A_878 = vector.shape_cast %swap3A_877 : vector<1x16xf32> to vector<16xf32>
        %swap3A_879 = vector.shape_cast %mul3A_874 : vector<16xf32> to vector<1x16xf32>
        tpu.vector_store %arg12[%swap3A_875, %swap3A_876], %swap3A_879 {strides = array<i32>} : memref<128x128xf32, #tpu.memory_space<vmem>>, vector<1x16xf32>,
        %get3A_880 = arith.index_cast %add3A_849 : i32 to index
        %get3A_881 = arith.constant 48 : index
        %get3A_882 = tpu.vector_load %arg12[%get3A_880, %get3A_881] {strides = array<i32>} : memref<128x128xf32, #tpu.memory_space<vmem>>, vector<1x16xf32>,
        %get3A_883 = vector.shape_cast %get3A_882 : vector<1x16xf32> to vector<16xf32>
        %mul3A_884 = arith.mulf %get3A_883, %broadcast_in_dim3A_845 : vector<16xf32>
        %swap3A_885 = arith.index_cast %add3A_849 : i32 to index
        %swap3A_886 = arith.constant 48 : index
        %swap3A_887 = tpu.vector_load %arg12[%swap3A_885, %swap3A_886] {strides = array<i32>} : memref<128x128xf32, #tpu.memory_space<vmem>>, vector<1x16xf32>,
        %swap3A_888 = vector.shape_cast %swap3A_887 : vector<1x16xf32> to vector<16xf32>
        %swap3A_889 = vector.shape_cast %mul3A_884 : vector<16xf32> to vector<1x16xf32>
        tpu.vector_store %arg12[%swap3A_885, %swap3A_886], %swap3A_889 {strides = array<i32>} : memref<128x128xf32, #tpu.memory_space<vmem>>, vector<1x16xf32>,
        %get3A_890 = arith.index_cast %add3A_849 : i32 to index
        %get3A_891 = arith.constant 64 : index
        %get3A_892 = tpu.vector_load %arg12[%get3A_890, %get3A_891] {strides = array<i32>} : memref<128x128xf32, #tpu.memory_space<vmem>>, vector<1x16xf32>,
        %get3A_893 = vector.shape_cast %get3A_892 : vector<1x16xf32> to vector<16xf32>
        %mul3A_894 = arith.mulf %get3A_893, %broadcast_in_dim3A_845 : vector<16xf32>
        %swap3A_895 = arith.index_cast %add3A_849 : i32 to index
        %swap3A_896 = arith.constant 64 : index
        %swap3A_897 = tpu.vector_load %arg12[%swap3A_895, %swap3A_896] {strides = array<i32>} : memref<128x128xf32, #tpu.memory_space<vmem>>, vector<1x16xf32>,
        %swap3A_898 = vector.shape_cast %swap3A_897 : vector<1x16xf32> to vector<16xf32>
        %swap3A_899 = vector.shape_cast %mul3A_894 : vector<16xf32> to vector<1x16xf32>
        tpu.vector_store %arg12[%swap3A_895, %swap3A_896], %swap3A_899 {strides = array<i32>} : memref<128x128xf32, #tpu.memory_space<vmem>>, vector<1x16xf32>,
        %get3A_900 = arith.index_cast %add3A_849 : i32 to index
        %get3A_901 = arith.constant 80 : index
        %get3A_902 = tpu.vector_load %arg12[%get3A_900, %get3A_901] {strides = array<i32>} : memref<128x128xf32, #tpu.memory_space<vmem>>, vector<1x16xf32>,
        %get3A_903 = vector.shape_cast %get3A_902 : vector<1x16xf32> to vector<16xf32>
        %mul3A_904 = arith.mulf %get3A_903, %broadcast_in_dim3A_845 : vector<16xf32>
        %swap3A_905 = arith.index_cast %add3A_849 : i32 to index
        %swap3A_906 = arith.constant 80 : index
        %swap3A_907 = tpu.vector_load %arg12[%swap3A_905, %swap3A_906] {strides = array<i32>} : memref<128x128xf32, #tpu.memory_space<vmem>>, vector<1x16xf32>,
        %swap3A_908 = vector.shape_cast %swap3A_907 : vector<1x16xf32> to vector<16xf32>
        %swap3A_909 = vector.shape_cast %mul3A_904 : vector<16xf32> to vector<1x16xf32>
        tpu.vector_store %arg12[%swap3A_905, %swap3A_906], %swap3A_909 {strides = array<i32>} : memref<128x128xf32, #tpu.memory_space<vmem>>, vector<1x16xf32>,
        %get3A_910 = arith.index_cast %add3A_849 : i32 to index
        %get3A_911 = arith.constant 96 : index
        %get3A_912 = tpu.vector_load %arg12[%get3A_910, %get3A_911] {strides = array<i32>} : memref<128x128xf32, #tpu.memory_space<vmem>>, vector<1x16xf32>,
        %get3A_913 = vector.shape_cast %get3A_912 : vector<1x16xf32> to vector<16xf32>
        %mul3A_914 = arith.mulf %get3A_913, %broadcast_in_dim3A_845 : vector<16xf32>
        %swap3A_915 = arith.index_cast %add3A_849 : i32 to index
        %swap3A_916 = arith.constant 96 : index
        %swap3A_917 = tpu.vector_load %arg12[%swap3A_915, %swap3A_916] {strides = array<i32>} : memref<128x128xf32, #tpu.memory_space<vmem>>, vector<1x16xf32>,
        %swap3A_918 = vector.shape_cast %swap3A_917 : vector<1x16xf32> to vector<16xf32>
        %swap3A_919 = vector.shape_cast %mul3A_914 : vector<16xf32> to vector<1x16xf32>
        tpu.vector_store %arg12[%swap3A_915, %swap3A_916], %swap3A_919 {strides = array<i32>} : memref<128x128xf32, #tpu.memory_space<vmem>>, vector<1x16xf32>,
        %get3A_920 = arith.index_cast %add3A_849 : i32 to index
        %get3A_921 = arith.constant 112 : index
        %get3A_922 = tpu.vector_load %arg12[%get3A_920, %get3A_921] {strides = array<i32>} : memref<128x128xf32, #tpu.memory_space<vmem>>, vector<1x16xf32>,
        %get3A_923 = vector.shape_cast %get3A_922 : vector<1x16xf32> to vector<16xf32>
        %mul3A_924 = arith.mulf %get3A_923, %broadcast_in_dim3A_845 : vector<16xf32>
        %swap3A_925 = arith.index_cast %add3A_849 : i32 to index
        %swap3A_926 = arith.constant 112 : index
        %swap3A_927 = tpu.vector_load %arg12[%swap3A_925, %swap3A_926] {strides = array<i32>} : memref<128x128xf32, #tpu.memory_space<vmem>>, vector<1x16xf32>,
        %swap3A_928 = vector.shape_cast %swap3A_927 : vector<1x16xf32> to vector<16xf32>
        %swap3A_929 = vector.shape_cast %mul3A_924 : vector<16xf32> to vector<1x16xf32>
        tpu.vector_store %arg12[%swap3A_925, %swap3A_926], %swap3A_929 {strides = array<i32>} : memref<128x128xf32, #tpu.memory_space<vmem>>, vector<1x16xf32>,
        %slice3A_930 = vector.extract_strided_slice %get3A_63 {offsets = [10], sizes = [1], strides = [1]} : vector<16xf32> to vector<1xf32>
        %squeeze3A_931 = vector.extract %slice3A_930[0] : f32 from vector<1xf32>
        %broadcast_in_dim3A_932 = vector.broadcast %squeeze3A_931 : f32 to vector<16xf32>
        %mul3A_933 = arith.constant 16 : i32
        %mul3A_934 = arith.muli %scan3A_58, %mul3A_933 : i32
        %add3A_935 = arith.constant 10 : i32
        %add3A_936 = arith.addi %mul3A_934, %add3A_935 : i32
        %get3A_937 = arith.index_cast %add3A_936 : i32 to index
        %get3A_938 = arith.constant 0 : index
        %get3A_939 = tpu.vector_load %arg12[%get3A_937, %get3A_938] {strides = array<i32>} : memref<128x128xf32, #tpu.memory_space<vmem>>, vector<1x16xf32>,
        %get3A_940 = vector.shape_cast %get3A_939 : vector<1x16xf32> to vector<16xf32>
        %mul3A_941 = arith.mulf %get3A_940, %broadcast_in_dim3A_932 : vector<16xf32>
        %swap3A_942 = arith.index_cast %add3A_936 : i32 to index
        %swap3A_943 = arith.constant 0 : index
        %swap3A_944 = tpu.vector_load %arg12[%swap3A_942, %swap3A_943] {strides = array<i32>} : memref<128x128xf32, #tpu.memory_space<vmem>>, vector<1x16xf32>,
        %swap3A_945 = vector.shape_cast %swap3A_944 : vector<1x16xf32> to vector<16xf32>
        %swap3A_946 = vector.shape_cast %mul3A_941 : vector<16xf32> to vector<1x16xf32>
        tpu.vector_store %arg12[%swap3A_942, %swap3A_943], %swap3A_946 {strides = array<i32>} : memref<128x128xf32, #tpu.memory_space<vmem>>, vector<1x16xf32>,
        %get3A_947 = arith.index_cast %add3A_936 : i32 to index
        %get3A_948 = arith.constant 16 : index
        %get3A_949 = tpu.vector_load %arg12[%get3A_947, %get3A_948] {strides = array<i32>} : memref<128x128xf32, #tpu.memory_space<vmem>>, vector<1x16xf32>,
        %get3A_950 = vector.shape_cast %get3A_949 : vector<1x16xf32> to vector<16xf32>
        %mul3A_951 = arith.mulf %get3A_950, %broadcast_in_dim3A_932 : vector<16xf32>
        %swap3A_952 = arith.index_cast %add3A_936 : i32 to index
        %swap3A_953 = arith.constant 16 : index
        %swap3A_954 = tpu.vector_load %arg12[%swap3A_952, %swap3A_953] {strides = array<i32>} : memref<128x128xf32, #tpu.memory_space<vmem>>, vector<1x16xf32>,
        %swap3A_955 = vector.shape_cast %swap3A_954 : vector<1x16xf32> to vector<16xf32>
        %swap3A_956 = vector.shape_cast %mul3A_951 : vector<16xf32> to vector<1x16xf32>
        tpu.vector_store %arg12[%swap3A_952, %swap3A_953], %swap3A_956 {strides = array<i32>} : memref<128x128xf32, #tpu.memory_space<vmem>>, vector<1x16xf32>,
        %get3A_957 = arith.index_cast %add3A_936 : i32 to index
        %get3A_958 = arith.constant 32 : index
        %get3A_959 = tpu.vector_load %arg12[%get3A_957, %get3A_958] {strides = array<i32>} : memref<128x128xf32, #tpu.memory_space<vmem>>, vector<1x16xf32>,
        %get3A_960 = vector.shape_cast %get3A_959 : vector<1x16xf32> to vector<16xf32>
        %mul3A_961 = arith.mulf %get3A_960, %broadcast_in_dim3A_932 : vector<16xf32>
        %swap3A_962 = arith.index_cast %add3A_936 : i32 to index
        %swap3A_963 = arith.constant 32 : index
        %swap3A_964 = tpu.vector_load %arg12[%swap3A_962, %swap3A_963] {strides = array<i32>} : memref<128x128xf32, #tpu.memory_space<vmem>>, vector<1x16xf32>,
        %swap3A_965 = vector.shape_cast %swap3A_964 : vector<1x16xf32> to vector<16xf32>
        %swap3A_966 = vector.shape_cast %mul3A_961 : vector<16xf32> to vector<1x16xf32>
        tpu.vector_store %arg12[%swap3A_962, %swap3A_963], %swap3A_966 {strides = array<i32>} : memref<128x128xf32, #tpu.memory_space<vmem>>, vector<1x16xf32>,
        %get3A_967 = arith.index_cast %add3A_936 : i32 to index
        %get3A_968 = arith.constant 48 : index
        %get3A_969 = tpu.vector_load %arg12[%get3A_967, %get3A_968] {strides = array<i32>} : memref<128x128xf32, #tpu.memory_space<vmem>>, vector<1x16xf32>,
        %get3A_970 = vector.shape_cast %get3A_969 : vector<1x16xf32> to vector<16xf32>
        %mul3A_971 = arith.mulf %get3A_970, %broadcast_in_dim3A_932 : vector<16xf32>
        %swap3A_972 = arith.index_cast %add3A_936 : i32 to index
        %swap3A_973 = arith.constant 48 : index
        %swap3A_974 = tpu.vector_load %arg12[%swap3A_972, %swap3A_973] {strides = array<i32>} : memref<128x128xf32, #tpu.memory_space<vmem>>, vector<1x16xf32>,
        %swap3A_975 = vector.shape_cast %swap3A_974 : vector<1x16xf32> to vector<16xf32>
        %swap3A_976 = vector.shape_cast %mul3A_971 : vector<16xf32> to vector<1x16xf32>
        tpu.vector_store %arg12[%swap3A_972, %swap3A_973], %swap3A_976 {strides = array<i32>} : memref<128x128xf32, #tpu.memory_space<vmem>>, vector<1x16xf32>,
        %get3A_977 = arith.index_cast %add3A_936 : i32 to index
        %get3A_978 = arith.constant 64 : index
        %get3A_979 = tpu.vector_load %arg12[%get3A_977, %get3A_978] {strides = array<i32>} : memref<128x128xf32, #tpu.memory_space<vmem>>, vector<1x16xf32>,
        %get3A_980 = vector.shape_cast %get3A_979 : vector<1x16xf32> to vector<16xf32>
        %mul3A_981 = arith.mulf %get3A_980, %broadcast_in_dim3A_932 : vector<16xf32>
        %swap3A_982 = arith.index_cast %add3A_936 : i32 to index
        %swap3A_983 = arith.constant 64 : index
        %swap3A_984 = tpu.vector_load %arg12[%swap3A_982, %swap3A_983] {strides = array<i32>} : memref<128x128xf32, #tpu.memory_space<vmem>>, vector<1x16xf32>,
        %swap3A_985 = vector.shape_cast %swap3A_984 : vector<1x16xf32> to vector<16xf32>
        %swap3A_986 = vector.shape_cast %mul3A_981 : vector<16xf32> to vector<1x16xf32>
        tpu.vector_store %arg12[%swap3A_982, %swap3A_983], %swap3A_986 {strides = array<i32>} : memref<128x128xf32, #tpu.memory_space<vmem>>, vector<1x16xf32>,
        %get3A_987 = arith.index_cast %add3A_936 : i32 to index
        %get3A_988 = arith.constant 80 : index
        %get3A_989 = tpu.vector_load %arg12[%get3A_987, %get3A_988] {strides = array<i32>} : memref<128x128xf32, #tpu.memory_space<vmem>>, vector<1x16xf32>,
        %get3A_990 = vector.shape_cast %get3A_989 : vector<1x16xf32> to vector<16xf32>
        %mul3A_991 = arith.mulf %get3A_990, %broadcast_in_dim3A_932 : vector<16xf32>
        %swap3A_992 = arith.index_cast %add3A_936 : i32 to index
        %swap3A_993 = arith.constant 80 : index
        %swap3A_994 = tpu.vector_load %arg12[%swap3A_992, %swap3A_993] {strides = array<i32>} : memref<128x128xf32, #tpu.memory_space<vmem>>, vector<1x16xf32>,
        %swap3A_995 = vector.shape_cast %swap3A_994 : vector<1x16xf32> to vector<16xf32>
        %swap3A_996 = vector.shape_cast %mul3A_991 : vector<16xf32> to vector<1x16xf32>
        tpu.vector_store %arg12[%swap3A_992, %swap3A_993], %swap3A_996 {strides = array<i32>} : memref<128x128xf32, #tpu.memory_space<vmem>>, vector<1x16xf32>,
        %get3A_997 = arith.index_cast %add3A_936 : i32 to index
        %get3A_998 = arith.constant 96 : index
        %get3A_999 = tpu.vector_load %arg12[%get3A_997, %get3A_998] {strides = array<i32>} : memref<128x128xf32, #tpu.memory_space<vmem>>, vector<1x16xf32>,
        %get3A_1000 = vector.shape_cast %get3A_999 : vector<1x16xf32> to vector<16xf32>
        %mul3A_1001 = arith.mulf %get3A_1000, %broadcast_in_dim3A_932 : vector<16xf32>
        %swap3A_1002 = arith.index_cast %add3A_936 : i32 to index
        %swap3A_1003 = arith.constant 96 : index
        %swap3A_1004 = tpu.vector_load %arg12[%swap3A_1002, %swap3A_1003] {strides = array<i32>} : memref<128x128xf32, #tpu.memory_space<vmem>>, vector<1x16xf32>,
        %swap3A_1005 = vector.shape_cast %swap3A_1004 : vector<1x16xf32> to vector<16xf32>
        %swap3A_1006 = vector.shape_cast %mul3A_1001 : vector<16xf32> to vector<1x16xf32>
        tpu.vector_store %arg12[%swap3A_1002, %swap3A_1003], %swap3A_1006 {strides = array<i32>} : memref<128x128xf32, #tpu.memory_space<vmem>>, vector<1x16xf32>,
        %get3A_1007 = arith.index_cast %add3A_936 : i32 to index
        %get3A_1008 = arith.constant 112 : index
        %get3A_1009 = tpu.vector_load %arg12[%get3A_1007, %get3A_1008] {strides = array<i32>} : memref<128x128xf32, #tpu.memory_space<vmem>>, vector<1x16xf32>,
        %get3A_1010 = vector.shape_cast %get3A_1009 : vector<1x16xf32> to vector<16xf32>
        %mul3A_1011 = arith.mulf %get3A_1010, %broadcast_in_dim3A_932 : vector<16xf32>
        %swap3A_1012 = arith.index_cast %add3A_936 : i32 to index
        %swap3A_1013 = arith.constant 112 : index
        %swap3A_1014 = tpu.vector_load %arg12[%swap3A_1012, %swap3A_1013] {strides = array<i32>} : memref<128x128xf32, #tpu.memory_space<vmem>>, vector<1x16xf32>,
        %swap3A_1015 = vector.shape_cast %swap3A_1014 : vector<1x16xf32> to vector<16xf32>
        %swap3A_1016 = vector.shape_cast %mul3A_1011 : vector<16xf32> to vector<1x16xf32>
        tpu.vector_store %arg12[%swap3A_1012, %swap3A_1013], %swap3A_1016 {strides = array<i32>} : memref<128x128xf32, #tpu.memory_space<vmem>>, vector<1x16xf32>,
        %slice3A_1017 = vector.extract_strided_slice %get3A_63 {offsets = [11], sizes = [1], strides = [1]} : vector<16xf32> to vector<1xf32>
        %squeeze3A_1018 = vector.extract %slice3A_1017[0] : f32 from vector<1xf32>
        %broadcast_in_dim3A_1019 = vector.broadcast %squeeze3A_1018 : f32 to vector<16xf32>
        %mul3A_1020 = arith.constant 16 : i32
        %mul3A_1021 = arith.muli %scan3A_58, %mul3A_1020 : i32
        %add3A_1022 = arith.constant 11 : i32
        %add3A_1023 = arith.addi %mul3A_1021, %add3A_1022 : i32
        %get3A_1024 = arith.index_cast %add3A_1023 : i32 to index
        %get3A_1025 = arith.constant 0 : index
        %get3A_1026 = tpu.vector_load %arg12[%get3A_1024, %get3A_1025] {strides = array<i32>} : memref<128x128xf32, #tpu.memory_space<vmem>>, vector<1x16xf32>,
        %get3A_1027 = vector.shape_cast %get3A_1026 : vector<1x16xf32> to vector<16xf32>
        %mul3A_1028 = arith.mulf %get3A_1027, %broadcast_in_dim3A_1019 : vector<16xf32>
        %swap3A_1029 = arith.index_cast %add3A_1023 : i32 to index
        %swap3A_1030 = arith.constant 0 : index
        %swap3A_1031 = tpu.vector_load %arg12[%swap3A_1029, %swap3A_1030] {strides = array<i32>} : memref<128x128xf32, #tpu.memory_space<vmem>>, vector<1x16xf32>,
        %swap3A_1032 = vector.shape_cast %swap3A_1031 : vector<1x16xf32> to vector<16xf32>
        %swap3A_1033 = vector.shape_cast %mul3A_1028 : vector<16xf32> to vector<1x16xf32>
        tpu.vector_store %arg12[%swap3A_1029, %swap3A_1030], %swap3A_1033 {strides = array<i32>} : memref<128x128xf32, #tpu.memory_space<vmem>>, vector<1x16xf32>,
        %get3A_1034 = arith.index_cast %add3A_1023 : i32 to index
        %get3A_1035 = arith.constant 16 : index
        %get3A_1036 = tpu.vector_load %arg12[%get3A_1034, %get3A_1035] {strides = array<i32>} : memref<128x128xf32, #tpu.memory_space<vmem>>, vector<1x16xf32>,
        %get3A_1037 = vector.shape_cast %get3A_1036 : vector<1x16xf32> to vector<16xf32>
        %mul3A_1038 = arith.mulf %get3A_1037, %broadcast_in_dim3A_1019 : vector<16xf32>
        %swap3A_1039 = arith.index_cast %add3A_1023 : i32 to index
        %swap3A_1040 = arith.constant 16 : index
        %swap3A_1041 = tpu.vector_load %arg12[%swap3A_1039, %swap3A_1040] {strides = array<i32>} : memref<128x128xf32, #tpu.memory_space<vmem>>, vector<1x16xf32>,
        %swap3A_1042 = vector.shape_cast %swap3A_1041 : vector<1x16xf32> to vector<16xf32>
        %swap3A_1043 = vector.shape_cast %mul3A_1038 : vector<16xf32> to vector<1x16xf32>
        tpu.vector_store %arg12[%swap3A_1039, %swap3A_1040], %swap3A_1043 {strides = array<i32>} : memref<128x128xf32, #tpu.memory_space<vmem>>, vector<1x16xf32>,
        %get3A_1044 = arith.index_cast %add3A_1023 : i32 to index
        %get3A_1045 = arith.constant 32 : index
        %get3A_1046 = tpu.vector_load %arg12[%get3A_1044, %get3A_1045] {strides = array<i32>} : memref<128x128xf32, #tpu.memory_space<vmem>>, vector<1x16xf32>,
        %get3A_1047 = vector.shape_cast %get3A_1046 : vector<1x16xf32> to vector<16xf32>
        %mul3A_1048 = arith.mulf %get3A_1047, %broadcast_in_dim3A_1019 : vector<16xf32>
        %swap3A_1049 = arith.index_cast %add3A_1023 : i32 to index
        %swap3A_1050 = arith.constant 32 : index
        %swap3A_1051 = tpu.vector_load %arg12[%swap3A_1049, %swap3A_1050] {strides = array<i32>} : memref<128x128xf32, #tpu.memory_space<vmem>>, vector<1x16xf32>,
        %swap3A_1052 = vector.shape_cast %swap3A_1051 : vector<1x16xf32> to vector<16xf32>
        %swap3A_1053 = vector.shape_cast %mul3A_1048 : vector<16xf32> to vector<1x16xf32>
        tpu.vector_store %arg12[%swap3A_1049, %swap3A_1050], %swap3A_1053 {strides = array<i32>} : memref<128x128xf32, #tpu.memory_space<vmem>>, vector<1x16xf32>,
        %get3A_1054 = arith.index_cast %add3A_1023 : i32 to index
        %get3A_1055 = arith.constant 48 : index
        %get3A_1056 = tpu.vector_load %arg12[%get3A_1054, %get3A_1055] {strides = array<i32>} : memref<128x128xf32, #tpu.memory_space<vmem>>, vector<1x16xf32>,
        %get3A_1057 = vector.shape_cast %get3A_1056 : vector<1x16xf32> to vector<16xf32>
        %mul3A_1058 = arith.mulf %get3A_1057, %broadcast_in_dim3A_1019 : vector<16xf32>
        %swap3A_1059 = arith.index_cast %add3A_1023 : i32 to index
        %swap3A_1060 = arith.constant 48 : index
        %swap3A_1061 = tpu.vector_load %arg12[%swap3A_1059, %swap3A_1060] {strides = array<i32>} : memref<128x128xf32, #tpu.memory_space<vmem>>, vector<1x16xf32>,
        %swap3A_1062 = vector.shape_cast %swap3A_1061 : vector<1x16xf32> to vector<16xf32>
        %swap3A_1063 = vector.shape_cast %mul3A_1058 : vector<16xf32> to vector<1x16xf32>
        tpu.vector_store %arg12[%swap3A_1059, %swap3A_1060], %swap3A_1063 {strides = array<i32>} : memref<128x128xf32, #tpu.memory_space<vmem>>, vector<1x16xf32>,
        %get3A_1064 = arith.index_cast %add3A_1023 : i32 to index
        %get3A_1065 = arith.constant 64 : index
        %get3A_1066 = tpu.vector_load %arg12[%get3A_1064, %get3A_1065] {strides = array<i32>} : memref<128x128xf32, #tpu.memory_space<vmem>>, vector<1x16xf32>,
        %get3A_1067 = vector.shape_cast %get3A_1066 : vector<1x16xf32> to vector<16xf32>
        %mul3A_1068 = arith.mulf %get3A_1067, %broadcast_in_dim3A_1019 : vector<16xf32>
        %swap3A_1069 = arith.index_cast %add3A_1023 : i32 to index
        %swap3A_1070 = arith.constant 64 : index
        %swap3A_1071 = tpu.vector_load %arg12[%swap3A_1069, %swap3A_1070] {strides = array<i32>} : memref<128x128xf32, #tpu.memory_space<vmem>>, vector<1x16xf32>,
        %swap3A_1072 = vector.shape_cast %swap3A_1071 : vector<1x16xf32> to vector<16xf32>
        %swap3A_1073 = vector.shape_cast %mul3A_1068 : vector<16xf32> to vector<1x16xf32>
        tpu.vector_store %arg12[%swap3A_1069, %swap3A_1070], %swap3A_1073 {strides = array<i32>} : memref<128x128xf32, #tpu.memory_space<vmem>>, vector<1x16xf32>,
        %get3A_1074 = arith.index_cast %add3A_1023 : i32 to index
        %get3A_1075 = arith.constant 80 : index
        %get3A_1076 = tpu.vector_load %arg12[%get3A_1074, %get3A_1075] {strides = array<i32>} : memref<128x128xf32, #tpu.memory_space<vmem>>, vector<1x16xf32>,
        %get3A_1077 = vector.shape_cast %get3A_1076 : vector<1x16xf32> to vector<16xf32>
        %mul3A_1078 = arith.mulf %get3A_1077, %broadcast_in_dim3A_1019 : vector<16xf32>
        %swap3A_1079 = arith.index_cast %add3A_1023 : i32 to index
        %swap3A_1080 = arith.constant 80 : index
        %swap3A_1081 = tpu.vector_load %arg12[%swap3A_1079, %swap3A_1080] {strides = array<i32>} : memref<128x128xf32, #tpu.memory_space<vmem>>, vector<1x16xf32>,
        %swap3A_1082 = vector.shape_cast %swap3A_1081 : vector<1x16xf32> to vector<16xf32>
        %swap3A_1083 = vector.shape_cast %mul3A_1078 : vector<16xf32> to vector<1x16xf32>
        tpu.vector_store %arg12[%swap3A_1079, %swap3A_1080], %swap3A_1083 {strides = array<i32>} : memref<128x128xf32, #tpu.memory_space<vmem>>, vector<1x16xf32>,
        %get3A_1084 = arith.index_cast %add3A_1023 : i32 to index
        %get3A_1085 = arith.constant 96 : index
        %get3A_1086 = tpu.vector_load %arg12[%get3A_1084, %get3A_1085] {strides = array<i32>} : memref<128x128xf32, #tpu.memory_space<vmem>>, vector<1x16xf32>,
        %get3A_1087 = vector.shape_cast %get3A_1086 : vector<1x16xf32> to vector<16xf32>
        %mul3A_1088 = arith.mulf %get3A_1087, %broadcast_in_dim3A_1019 : vector<16xf32>
        %swap3A_1089 = arith.index_cast %add3A_1023 : i32 to index
        %swap3A_1090 = arith.constant 96 : index
        %swap3A_1091 = tpu.vector_load %arg12[%swap3A_1089, %swap3A_1090] {strides = array<i32>} : memref<128x128xf32, #tpu.memory_space<vmem>>, vector<1x16xf32>,
        %swap3A_1092 = vector.shape_cast %swap3A_1091 : vector<1x16xf32> to vector<16xf32>
        %swap3A_1093 = vector.shape_cast %mul3A_1088 : vector<16xf32> to vector<1x16xf32>
        tpu.vector_store %arg12[%swap3A_1089, %swap3A_1090], %swap3A_1093 {strides = array<i32>} : memref<128x128xf32, #tpu.memory_space<vmem>>, vector<1x16xf32>,
        %get3A_1094 = arith.index_cast %add3A_1023 : i32 to index
        %get3A_1095 = arith.constant 112 : index
        %get3A_1096 = tpu.vector_load %arg12[%get3A_1094, %get3A_1095] {strides = array<i32>} : memref<128x128xf32, #tpu.memory_space<vmem>>, vector<1x16xf32>,
        %get3A_1097 = vector.shape_cast %get3A_1096 : vector<1x16xf32> to vector<16xf32>
        %mul3A_1098 = arith.mulf %get3A_1097, %broadcast_in_dim3A_1019 : vector<16xf32>
        %swap3A_1099 = arith.index_cast %add3A_1023 : i32 to index
        %swap3A_1100 = arith.constant 112 : index
        %swap3A_1101 = tpu.vector_load %arg12[%swap3A_1099, %swap3A_1100] {strides = array<i32>} : memref<128x128xf32, #tpu.memory_space<vmem>>, vector<1x16xf32>,
        %swap3A_1102 = vector.shape_cast %swap3A_1101 : vector<1x16xf32> to vector<16xf32>
        %swap3A_1103 = vector.shape_cast %mul3A_1098 : vector<16xf32> to vector<1x16xf32>
        tpu.vector_store %arg12[%swap3A_1099, %swap3A_1100], %swap3A_1103 {strides = array<i32>} : memref<128x128xf32, #tpu.memory_space<vmem>>, vector<1x16xf32>,
        %slice3A_1104 = vector.extract_strided_slice %get3A_63 {offsets = [12], sizes = [1], strides = [1]} : vector<16xf32> to vector<1xf32>
        %squeeze3A_1105 = vector.extract %slice3A_1104[0] : f32 from vector<1xf32>
        %broadcast_in_dim3A_1106 = vector.broadcast %squeeze3A_1105 : f32 to vector<16xf32>
        %mul3A_1107 = arith.constant 16 : i32
        %mul3A_1108 = arith.muli %scan3A_58, %mul3A_1107 : i32
        %add3A_1109 = arith.constant 12 : i32
        %add3A_1110 = arith.addi %mul3A_1108, %add3A_1109 : i32
        %get3A_1111 = arith.index_cast %add3A_1110 : i32 to index
        %get3A_1112 = arith.constant 0 : index
        %get3A_1113 = tpu.vector_load %arg12[%get3A_1111, %get3A_1112] {strides = array<i32>} : memref<128x128xf32, #tpu.memory_space<vmem>>, vector<1x16xf32>,
        %get3A_1114 = vector.shape_cast %get3A_1113 : vector<1x16xf32> to vector<16xf32>
        %mul3A_1115 = arith.mulf %get3A_1114, %broadcast_in_dim3A_1106 : vector<16xf32>
        %swap3A_1116 = arith.index_cast %add3A_1110 : i32 to index
        %swap3A_1117 = arith.constant 0 : index
        %swap3A_1118 = tpu.vector_load %arg12[%swap3A_1116, %swap3A_1117] {strides = array<i32>} : memref<128x128xf32, #tpu.memory_space<vmem>>, vector<1x16xf32>,
        %swap3A_1119 = vector.shape_cast %swap3A_1118 : vector<1x16xf32> to vector<16xf32>
        %swap3A_1120 = vector.shape_cast %mul3A_1115 : vector<16xf32> to vector<1x16xf32>
        tpu.vector_store %arg12[%swap3A_1116, %swap3A_1117], %swap3A_1120 {strides = array<i32>} : memref<128x128xf32, #tpu.memory_space<vmem>>, vector<1x16xf32>,
        %get3A_1121 = arith.index_cast %add3A_1110 : i32 to index
        %get3A_1122 = arith.constant 16 : index
        %get3A_1123 = tpu.vector_load %arg12[%get3A_1121, %get3A_1122] {strides = array<i32>} : memref<128x128xf32, #tpu.memory_space<vmem>>, vector<1x16xf32>,
        %get3A_1124 = vector.shape_cast %get3A_1123 : vector<1x16xf32> to vector<16xf32>
        %mul3A_1125 = arith.mulf %get3A_1124, %broadcast_in_dim3A_1106 : vector<16xf32>
        %swap3A_1126 = arith.index_cast %add3A_1110 : i32 to index
        %swap3A_1127 = arith.constant 16 : index
        %swap3A_1128 = tpu.vector_load %arg12[%swap3A_1126, %swap3A_1127] {strides = array<i32>} : memref<128x128xf32, #tpu.memory_space<vmem>>, vector<1x16xf32>,
        %swap3A_1129 = vector.shape_cast %swap3A_1128 : vector<1x16xf32> to vector<16xf32>
        %swap3A_1130 = vector.shape_cast %mul3A_1125 : vector<16xf32> to vector<1x16xf32>
        tpu.vector_store %arg12[%swap3A_1126, %swap3A_1127], %swap3A_1130 {strides = array<i32>} : memref<128x128xf32, #tpu.memory_space<vmem>>, vector<1x16xf32>,
        %get3A_1131 = arith.index_cast %add3A_1110 : i32 to index
        %get3A_1132 = arith.constant 32 : index
        %get3A_1133 = tpu.vector_load %arg12[%get3A_1131, %get3A_1132] {strides = array<i32>} : memref<128x128xf32, #tpu.memory_space<vmem>>, vector<1x16xf32>,
        %get3A_1134 = vector.shape_cast %get3A_1133 : vector<1x16xf32> to vector<16xf32>
        %mul3A_1135 = arith.mulf %get3A_1134, %broadcast_in_dim3A_1106 : vector<16xf32>
        %swap3A_1136 = arith.index_cast %add3A_1110 : i32 to index
        %swap3A_1137 = arith.constant 32 : index
        %swap3A_1138 = tpu.vector_load %arg12[%swap3A_1136, %swap3A_1137] {strides = array<i32>} : memref<128x128xf32, #tpu.memory_space<vmem>>, vector<1x16xf32>,
        %swap3A_1139 = vector.shape_cast %swap3A_1138 : vector<1x16xf32> to vector<16xf32>
        %swap3A_1140 = vector.shape_cast %mul3A_1135 : vector<16xf32> to vector<1x16xf32>
        tpu.vector_store %arg12[%swap3A_1136, %swap3A_1137], %swap3A_1140 {strides = array<i32>} : memref<128x128xf32, #tpu.memory_space<vmem>>, vector<1x16xf32>,
        %get3A_1141 = arith.index_cast %add3A_1110 : i32 to index
        %get3A_1142 = arith.constant 48 : index
        %get3A_1143 = tpu.vector_load %arg12[%get3A_1141, %get3A_1142] {strides = array<i32>} : memref<128x128xf32, #tpu.memory_space<vmem>>, vector<1x16xf32>,
        %get3A_1144 = vector.shape_cast %get3A_1143 : vector<1x16xf32> to vector<16xf32>
        %mul3A_1145 = arith.mulf %get3A_1144, %broadcast_in_dim3A_1106 : vector<16xf32>
        %swap3A_1146 = arith.index_cast %add3A_1110 : i32 to index
        %swap3A_1147 = arith.constant 48 : index
        %swap3A_1148 = tpu.vector_load %arg12[%swap3A_1146, %swap3A_1147] {strides = array<i32>} : memref<128x128xf32, #tpu.memory_space<vmem>>, vector<1x16xf32>,
        %swap3A_1149 = vector.shape_cast %swap3A_1148 : vector<1x16xf32> to vector<16xf32>
        %swap3A_1150 = vector.shape_cast %mul3A_1145 : vector<16xf32> to vector<1x16xf32>
        tpu.vector_store %arg12[%swap3A_1146, %swap3A_1147], %swap3A_1150 {strides = array<i32>} : memref<128x128xf32, #tpu.memory_space<vmem>>, vector<1x16xf32>,
        %get3A_1151 = arith.index_cast %add3A_1110 : i32 to index
        %get3A_1152 = arith.constant 64 : index
        %get3A_1153 = tpu.vector_load %arg12[%get3A_1151, %get3A_1152] {strides = array<i32>} : memref<128x128xf32, #tpu.memory_space<vmem>>, vector<1x16xf32>,
        %get3A_1154 = vector.shape_cast %get3A_1153 : vector<1x16xf32> to vector<16xf32>
        %mul3A_1155 = arith.mulf %get3A_1154, %broadcast_in_dim3A_1106 : vector<16xf32>
        %swap3A_1156 = arith.index_cast %add3A_1110 : i32 to index
        %swap3A_1157 = arith.constant 64 : index
        %swap3A_1158 = tpu.vector_load %arg12[%swap3A_1156, %swap3A_1157] {strides = array<i32>} : memref<128x128xf32, #tpu.memory_space<vmem>>, vector<1x16xf32>,
        %swap3A_1159 = vector.shape_cast %swap3A_1158 : vector<1x16xf32> to vector<16xf32>
        %swap3A_1160 = vector.shape_cast %mul3A_1155 : vector<16xf32> to vector<1x16xf32>
        tpu.vector_store %arg12[%swap3A_1156, %swap3A_1157], %swap3A_1160 {strides = array<i32>} : memref<128x128xf32, #tpu.memory_space<vmem>>, vector<1x16xf32>,
        %get3A_1161 = arith.index_cast %add3A_1110 : i32 to index
        %get3A_1162 = arith.constant 80 : index
        %get3A_1163 = tpu.vector_load %arg12[%get3A_1161, %get3A_1162] {strides = array<i32>} : memref<128x128xf32, #tpu.memory_space<vmem>>, vector<1x16xf32>,
        %get3A_1164 = vector.shape_cast %get3A_1163 : vector<1x16xf32> to vector<16xf32>
        %mul3A_1165 = arith.mulf %get3A_1164, %broadcast_in_dim3A_1106 : vector<16xf32>
        %swap3A_1166 = arith.index_cast %add3A_1110 : i32 to index
        %swap3A_1167 = arith.constant 80 : index
        %swap3A_1168 = tpu.vector_load %arg12[%swap3A_1166, %swap3A_1167] {strides = array<i32>} : memref<128x128xf32, #tpu.memory_space<vmem>>, vector<1x16xf32>,
        %swap3A_1169 = vector.shape_cast %swap3A_1168 : vector<1x16xf32> to vector<16xf32>
        %swap3A_1170 = vector.shape_cast %mul3A_1165 : vector<16xf32> to vector<1x16xf32>
        tpu.vector_store %arg12[%swap3A_1166, %swap3A_1167], %swap3A_1170 {strides = array<i32>} : memref<128x128xf32, #tpu.memory_space<vmem>>, vector<1x16xf32>,
        %get3A_1171 = arith.index_cast %add3A_1110 : i32 to index
        %get3A_1172 = arith.constant 96 : index
        %get3A_1173 = tpu.vector_load %arg12[%get3A_1171, %get3A_1172] {strides = array<i32>} : memref<128x128xf32, #tpu.memory_space<vmem>>, vector<1x16xf32>,
        %get3A_1174 = vector.shape_cast %get3A_1173 : vector<1x16xf32> to vector<16xf32>
        %mul3A_1175 = arith.mulf %get3A_1174, %broadcast_in_dim3A_1106 : vector<16xf32>
        %swap3A_1176 = arith.index_cast %add3A_1110 : i32 to index
        %swap3A_1177 = arith.constant 96 : index
        %swap3A_1178 = tpu.vector_load %arg12[%swap3A_1176, %swap3A_1177] {strides = array<i32>} : memref<128x128xf32, #tpu.memory_space<vmem>>, vector<1x16xf32>,
        %swap3A_1179 = vector.shape_cast %swap3A_1178 : vector<1x16xf32> to vector<16xf32>
        %swap3A_1180 = vector.shape_cast %mul3A_1175 : vector<16xf32> to vector<1x16xf32>
        tpu.vector_store %arg12[%swap3A_1176, %swap3A_1177], %swap3A_1180 {strides = array<i32>} : memref<128x128xf32, #tpu.memory_space<vmem>>, vector<1x16xf32>,
        %get3A_1181 = arith.index_cast %add3A_1110 : i32 to index
        %get3A_1182 = arith.constant 112 : index
        %get3A_1183 = tpu.vector_load %arg12[%get3A_1181, %get3A_1182] {strides = array<i32>} : memref<128x128xf32, #tpu.memory_space<vmem>>, vector<1x16xf32>,
        %get3A_1184 = vector.shape_cast %get3A_1183 : vector<1x16xf32> to vector<16xf32>
        %mul3A_1185 = arith.mulf %get3A_1184, %broadcast_in_dim3A_1106 : vector<16xf32>
        %swap3A_1186 = arith.index_cast %add3A_1110 : i32 to index
        %swap3A_1187 = arith.constant 112 : index
        %swap3A_1188 = tpu.vector_load %arg12[%swap3A_1186, %swap3A_1187] {strides = array<i32>} : memref<128x128xf32, #tpu.memory_space<vmem>>, vector<1x16xf32>,
        %swap3A_1189 = vector.shape_cast %swap3A_1188 : vector<1x16xf32> to vector<16xf32>
        %swap3A_1190 = vector.shape_cast %mul3A_1185 : vector<16xf32> to vector<1x16xf32>
        tpu.vector_store %arg12[%swap3A_1186, %swap3A_1187], %swap3A_1190 {strides = array<i32>} : memref<128x128xf32, #tpu.memory_space<vmem>>, vector<1x16xf32>,
        %slice3A_1191 = vector.extract_strided_slice %get3A_63 {offsets = [13], sizes = [1], strides = [1]} : vector<16xf32> to vector<1xf32>
        %squeeze3A_1192 = vector.extract %slice3A_1191[0] : f32 from vector<1xf32>
        %broadcast_in_dim3A_1193 = vector.broadcast %squeeze3A_1192 : f32 to vector<16xf32>
        %mul3A_1194 = arith.constant 16 : i32
        %mul3A_1195 = arith.muli %scan3A_58, %mul3A_1194 : i32
        %add3A_1196 = arith.constant 13 : i32
        %add3A_1197 = arith.addi %mul3A_1195, %add3A_1196 : i32
        %get3A_1198 = arith.index_cast %add3A_1197 : i32 to index
        %get3A_1199 = arith.constant 0 : index
        %get3A_1200 = tpu.vector_load %arg12[%get3A_1198, %get3A_1199] {strides = array<i32>} : memref<128x128xf32, #tpu.memory_space<vmem>>, vector<1x16xf32>,
        %get3A_1201 = vector.shape_cast %get3A_1200 : vector<1x16xf32> to vector<16xf32>
        %mul3A_1202 = arith.mulf %get3A_1201, %broadcast_in_dim3A_1193 : vector<16xf32>
        %swap3A_1203 = arith.index_cast %add3A_1197 : i32 to index
        %swap3A_1204 = arith.constant 0 : index
        %swap3A_1205 = tpu.vector_load %arg12[%swap3A_1203, %swap3A_1204] {strides = array<i32>} : memref<128x128xf32, #tpu.memory_space<vmem>>, vector<1x16xf32>,
        %swap3A_1206 = vector.shape_cast %swap3A_1205 : vector<1x16xf32> to vector<16xf32>
        %swap3A_1207 = vector.shape_cast %mul3A_1202 : vector<16xf32> to vector<1x16xf32>
        tpu.vector_store %arg12[%swap3A_1203, %swap3A_1204], %swap3A_1207 {strides = array<i32>} : memref<128x128xf32, #tpu.memory_space<vmem>>, vector<1x16xf32>,
        %get3A_1208 = arith.index_cast %add3A_1197 : i32 to index
        %get3A_1209 = arith.constant 16 : index
        %get3A_1210 = tpu.vector_load %arg12[%get3A_1208, %get3A_1209] {strides = array<i32>} : memref<128x128xf32, #tpu.memory_space<vmem>>, vector<1x16xf32>,
        %get3A_1211 = vector.shape_cast %get3A_1210 : vector<1x16xf32> to vector<16xf32>
        %mul3A_1212 = arith.mulf %get3A_1211, %broadcast_in_dim3A_1193 : vector<16xf32>
        %swap3A_1213 = arith.index_cast %add3A_1197 : i32 to index
        %swap3A_1214 = arith.constant 16 : index
        %swap3A_1215 = tpu.vector_load %arg12[%swap3A_1213, %swap3A_1214] {strides = array<i32>} : memref<128x128xf32, #tpu.memory_space<vmem>>, vector<1x16xf32>,
        %swap3A_1216 = vector.shape_cast %swap3A_1215 : vector<1x16xf32> to vector<16xf32>
        %swap3A_1217 = vector.shape_cast %mul3A_1212 : vector<16xf32> to vector<1x16xf32>
        tpu.vector_store %arg12[%swap3A_1213, %swap3A_1214], %swap3A_1217 {strides = array<i32>} : memref<128x128xf32, #tpu.memory_space<vmem>>, vector<1x16xf32>,
        %get3A_1218 = arith.index_cast %add3A_1197 : i32 to index
        %get3A_1219 = arith.constant 32 : index
        %get3A_1220 = tpu.vector_load %arg12[%get3A_1218, %get3A_1219] {strides = array<i32>} : memref<128x128xf32, #tpu.memory_space<vmem>>, vector<1x16xf32>,
        %get3A_1221 = vector.shape_cast %get3A_1220 : vector<1x16xf32> to vector<16xf32>
        %mul3A_1222 = arith.mulf %get3A_1221, %broadcast_in_dim3A_1193 : vector<16xf32>
        %swap3A_1223 = arith.index_cast %add3A_1197 : i32 to index
        %swap3A_1224 = arith.constant 32 : index
        %swap3A_1225 = tpu.vector_load %arg12[%swap3A_1223, %swap3A_1224] {strides = array<i32>} : memref<128x128xf32, #tpu.memory_space<vmem>>, vector<1x16xf32>,
        %swap3A_1226 = vector.shape_cast %swap3A_1225 : vector<1x16xf32> to vector<16xf32>
        %swap3A_1227 = vector.shape_cast %mul3A_1222 : vector<16xf32> to vector<1x16xf32>
        tpu.vector_store %arg12[%swap3A_1223, %swap3A_1224], %swap3A_1227 {strides = array<i32>} : memref<128x128xf32, #tpu.memory_space<vmem>>, vector<1x16xf32>,
        %get3A_1228 = arith.index_cast %add3A_1197 : i32 to index
        %get3A_1229 = arith.constant 48 : index
        %get3A_1230 = tpu.vector_load %arg12[%get3A_1228, %get3A_1229] {strides = array<i32>} : memref<128x128xf32, #tpu.memory_space<vmem>>, vector<1x16xf32>,
        %get3A_1231 = vector.shape_cast %get3A_1230 : vector<1x16xf32> to vector<16xf32>
        %mul3A_1232 = arith.mulf %get3A_1231, %broadcast_in_dim3A_1193 : vector<16xf32>
        %swap3A_1233 = arith.index_cast %add3A_1197 : i32 to index
        %swap3A_1234 = arith.constant 48 : index
        %swap3A_1235 = tpu.vector_load %arg12[%swap3A_1233, %swap3A_1234] {strides = array<i32>} : memref<128x128xf32, #tpu.memory_space<vmem>>, vector<1x16xf32>,
        %swap3A_1236 = vector.shape_cast %swap3A_1235 : vector<1x16xf32> to vector<16xf32>
        %swap3A_1237 = vector.shape_cast %mul3A_1232 : vector<16xf32> to vector<1x16xf32>
        tpu.vector_store %arg12[%swap3A_1233, %swap3A_1234], %swap3A_1237 {strides = array<i32>} : memref<128x128xf32, #tpu.memory_space<vmem>>, vector<1x16xf32>,
        %get3A_1238 = arith.index_cast %add3A_1197 : i32 to index
        %get3A_1239 = arith.constant 64 : index
        %get3A_1240 = tpu.vector_load %arg12[%get3A_1238, %get3A_1239] {strides = array<i32>} : memref<128x128xf32, #tpu.memory_space<vmem>>, vector<1x16xf32>,
        %get3A_1241 = vector.shape_cast %get3A_1240 : vector<1x16xf32> to vector<16xf32>
        %mul3A_1242 = arith.mulf %get3A_1241, %broadcast_in_dim3A_1193 : vector<16xf32>
        %swap3A_1243 = arith.index_cast %add3A_1197 : i32 to index
        %swap3A_1244 = arith.constant 64 : index
        %swap3A_1245 = tpu.vector_load %arg12[%swap3A_1243, %swap3A_1244] {strides = array<i32>} : memref<128x128xf32, #tpu.memory_space<vmem>>, vector<1x16xf32>,
        %swap3A_1246 = vector.shape_cast %swap3A_1245 : vector<1x16xf32> to vector<16xf32>
        %swap3A_1247 = vector.shape_cast %mul3A_1242 : vector<16xf32> to vector<1x16xf32>
        tpu.vector_store %arg12[%swap3A_1243, %swap3A_1244], %swap3A_1247 {strides = array<i32>} : memref<128x128xf32, #tpu.memory_space<vmem>>, vector<1x16xf32>,
        %get3A_1248 = arith.index_cast %add3A_1197 : i32 to index
        %get3A_1249 = arith.constant 80 : index
        %get3A_1250 = tpu.vector_load %arg12[%get3A_1248, %get3A_1249] {strides = array<i32>} : memref<128x128xf32, #tpu.memory_space<vmem>>, vector<1x16xf32>,
        %get3A_1251 = vector.shape_cast %get3A_1250 : vector<1x16xf32> to vector<16xf32>
        %mul3A_1252 = arith.mulf %get3A_1251, %broadcast_in_dim3A_1193 : vector<16xf32>
        %swap3A_1253 = arith.index_cast %add3A_1197 : i32 to index
        %swap3A_1254 = arith.constant 80 : index
        %swap3A_1255 = tpu.vector_load %arg12[%swap3A_1253, %swap3A_1254] {strides = array<i32>} : memref<128x128xf32, #tpu.memory_space<vmem>>, vector<1x16xf32>,
        %swap3A_1256 = vector.shape_cast %swap3A_1255 : vector<1x16xf32> to vector<16xf32>
        %swap3A_1257 = vector.shape_cast %mul3A_1252 : vector<16xf32> to vector<1x16xf32>
        tpu.vector_store %arg12[%swap3A_1253, %swap3A_1254], %swap3A_1257 {strides = array<i32>} : memref<128x128xf32, #tpu.memory_space<vmem>>, vector<1x16xf32>,
        %get3A_1258 = arith.index_cast %add3A_1197 : i32 to index
        %get3A_1259 = arith.constant 96 : index
        %get3A_1260 = tpu.vector_load %arg12[%get3A_1258, %get3A_1259] {strides = array<i32>} : memref<128x128xf32, #tpu.memory_space<vmem>>, vector<1x16xf32>,
        %get3A_1261 = vector.shape_cast %get3A_1260 : vector<1x16xf32> to vector<16xf32>
        %mul3A_1262 = arith.mulf %get3A_1261, %broadcast_in_dim3A_1193 : vector<16xf32>
        %swap3A_1263 = arith.index_cast %add3A_1197 : i32 to index
        %swap3A_1264 = arith.constant 96 : index
        %swap3A_1265 = tpu.vector_load %arg12[%swap3A_1263, %swap3A_1264] {strides = array<i32>} : memref<128x128xf32, #tpu.memory_space<vmem>>, vector<1x16xf32>,
        %swap3A_1266 = vector.shape_cast %swap3A_1265 : vector<1x16xf32> to vector<16xf32>
        %swap3A_1267 = vector.shape_cast %mul3A_1262 : vector<16xf32> to vector<1x16xf32>
        tpu.vector_store %arg12[%swap3A_1263, %swap3A_1264], %swap3A_1267 {strides = array<i32>} : memref<128x128xf32, #tpu.memory_space<vmem>>, vector<1x16xf32>,
        %get3A_1268 = arith.index_cast %add3A_1197 : i32 to index
        %get3A_1269 = arith.constant 112 : index
        %get3A_1270 = tpu.vector_load %arg12[%get3A_1268, %get3A_1269] {strides = array<i32>} : memref<128x128xf32, #tpu.memory_space<vmem>>, vector<1x16xf32>,
        %get3A_1271 = vector.shape_cast %get3A_1270 : vector<1x16xf32> to vector<16xf32>
        %mul3A_1272 = arith.mulf %get3A_1271, %broadcast_in_dim3A_1193 : vector<16xf32>
        %swap3A_1273 = arith.index_cast %add3A_1197 : i32 to index
        %swap3A_1274 = arith.constant 112 : index
        %swap3A_1275 = tpu.vector_load %arg12[%swap3A_1273, %swap3A_1274] {strides = array<i32>} : memref<128x128xf32, #tpu.memory_space<vmem>>, vector<1x16xf32>,
        %swap3A_1276 = vector.shape_cast %swap3A_1275 : vector<1x16xf32> to vector<16xf32>
        %swap3A_1277 = vector.shape_cast %mul3A_1272 : vector<16xf32> to vector<1x16xf32>
        tpu.vector_store %arg12[%swap3A_1273, %swap3A_1274], %swap3A_1277 {strides = array<i32>} : memref<128x128xf32, #tpu.memory_space<vmem>>, vector<1x16xf32>,
        %slice3A_1278 = vector.extract_strided_slice %get3A_63 {offsets = [14], sizes = [1], strides = [1]} : vector<16xf32> to vector<1xf32>
        %squeeze3A_1279 = vector.extract %slice3A_1278[0] : f32 from vector<1xf32>
        %broadcast_in_dim3A_1280 = vector.broadcast %squeeze3A_1279 : f32 to vector<16xf32>
        %mul3A_1281 = arith.constant 16 : i32
        %mul3A_1282 = arith.muli %scan3A_58, %mul3A_1281 : i32
        %add3A_1283 = arith.constant 14 : i32
        %add3A_1284 = arith.addi %mul3A_1282, %add3A_1283 : i32
        %get3A_1285 = arith.index_cast %add3A_1284 : i32 to index
        %get3A_1286 = arith.constant 0 : index
        %get3A_1287 = tpu.vector_load %arg12[%get3A_1285, %get3A_1286] {strides = array<i32>} : memref<128x128xf32, #tpu.memory_space<vmem>>, vector<1x16xf32>,
        %get3A_1288 = vector.shape_cast %get3A_1287 : vector<1x16xf32> to vector<16xf32>
        %mul3A_1289 = arith.mulf %get3A_1288, %broadcast_in_dim3A_1280 : vector<16xf32>
        %swap3A_1290 = arith.index_cast %add3A_1284 : i32 to index
        %swap3A_1291 = arith.constant 0 : index
        %swap3A_1292 = tpu.vector_load %arg12[%swap3A_1290, %swap3A_1291] {strides = array<i32>} : memref<128x128xf32, #tpu.memory_space<vmem>>, vector<1x16xf32>,
        %swap3A_1293 = vector.shape_cast %swap3A_1292 : vector<1x16xf32> to vector<16xf32>
        %swap3A_1294 = vector.shape_cast %mul3A_1289 : vector<16xf32> to vector<1x16xf32>
        tpu.vector_store %arg12[%swap3A_1290, %swap3A_1291], %swap3A_1294 {strides = array<i32>} : memref<128x128xf32, #tpu.memory_space<vmem>>, vector<1x16xf32>,
        %get3A_1295 = arith.index_cast %add3A_1284 : i32 to index
        %get3A_1296 = arith.constant 16 : index
        %get3A_1297 = tpu.vector_load %arg12[%get3A_1295, %get3A_1296] {strides = array<i32>} : memref<128x128xf32, #tpu.memory_space<vmem>>, vector<1x16xf32>,
        %get3A_1298 = vector.shape_cast %get3A_1297 : vector<1x16xf32> to vector<16xf32>
        %mul3A_1299 = arith.mulf %get3A_1298, %broadcast_in_dim3A_1280 : vector<16xf32>
        %swap3A_1300 = arith.index_cast %add3A_1284 : i32 to index
        %swap3A_1301 = arith.constant 16 : index
        %swap3A_1302 = tpu.vector_load %arg12[%swap3A_1300, %swap3A_1301] {strides = array<i32>} : memref<128x128xf32, #tpu.memory_space<vmem>>, vector<1x16xf32>,
        %swap3A_1303 = vector.shape_cast %swap3A_1302 : vector<1x16xf32> to vector<16xf32>
        %swap3A_1304 = vector.shape_cast %mul3A_1299 : vector<16xf32> to vector<1x16xf32>
        tpu.vector_store %arg12[%swap3A_1300, %swap3A_1301], %swap3A_1304 {strides = array<i32>} : memref<128x128xf32, #tpu.memory_space<vmem>>, vector<1x16xf32>,
        %get3A_1305 = arith.index_cast %add3A_1284 : i32 to index
        %get3A_1306 = arith.constant 32 : index
        %get3A_1307 = tpu.vector_load %arg12[%get3A_1305, %get3A_1306] {strides = array<i32>} : memref<128x128xf32, #tpu.memory_space<vmem>>, vector<1x16xf32>,
        %get3A_1308 = vector.shape_cast %get3A_1307 : vector<1x16xf32> to vector<16xf32>
        %mul3A_1309 = arith.mulf %get3A_1308, %broadcast_in_dim3A_1280 : vector<16xf32>
        %swap3A_1310 = arith.index_cast %add3A_1284 : i32 to index
        %swap3A_1311 = arith.constant 32 : index
        %swap3A_1312 = tpu.vector_load %arg12[%swap3A_1310, %swap3A_1311] {strides = array<i32>} : memref<128x128xf32, #tpu.memory_space<vmem>>, vector<1x16xf32>,
        %swap3A_1313 = vector.shape_cast %swap3A_1312 : vector<1x16xf32> to vector<16xf32>
        %swap3A_1314 = vector.shape_cast %mul3A_1309 : vector<16xf32> to vector<1x16xf32>
        tpu.vector_store %arg12[%swap3A_1310, %swap3A_1311], %swap3A_1314 {strides = array<i32>} : memref<128x128xf32, #tpu.memory_space<vmem>>, vector<1x16xf32>,
        %get3A_1315 = arith.index_cast %add3A_1284 : i32 to index
        %get3A_1316 = arith.constant 48 : index
        %get3A_1317 = tpu.vector_load %arg12[%get3A_1315, %get3A_1316] {strides = array<i32>} : memref<128x128xf32, #tpu.memory_space<vmem>>, vector<1x16xf32>,
        %get3A_1318 = vector.shape_cast %get3A_1317 : vector<1x16xf32> to vector<16xf32>
        %mul3A_1319 = arith.mulf %get3A_1318, %broadcast_in_dim3A_1280 : vector<16xf32>
        %swap3A_1320 = arith.index_cast %add3A_1284 : i32 to index
        %swap3A_1321 = arith.constant 48 : index
        %swap3A_1322 = tpu.vector_load %arg12[%swap3A_1320, %swap3A_1321] {strides = array<i32>} : memref<128x128xf32, #tpu.memory_space<vmem>>, vector<1x16xf32>,
        %swap3A_1323 = vector.shape_cast %swap3A_1322 : vector<1x16xf32> to vector<16xf32>
        %swap3A_1324 = vector.shape_cast %mul3A_1319 : vector<16xf32> to vector<1x16xf32>
        tpu.vector_store %arg12[%swap3A_1320, %swap3A_1321], %swap3A_1324 {strides = array<i32>} : memref<128x128xf32, #tpu.memory_space<vmem>>, vector<1x16xf32>,
        %get3A_1325 = arith.index_cast %add3A_1284 : i32 to index
        %get3A_1326 = arith.constant 64 : index
        %get3A_1327 = tpu.vector_load %arg12[%get3A_1325, %get3A_1326] {strides = array<i32>} : memref<128x128xf32, #tpu.memory_space<vmem>>, vector<1x16xf32>,
        %get3A_1328 = vector.shape_cast %get3A_1327 : vector<1x16xf32> to vector<16xf32>
        %mul3A_1329 = arith.mulf %get3A_1328, %broadcast_in_dim3A_1280 : vector<16xf32>
        %swap3A_1330 = arith.index_cast %add3A_1284 : i32 to index
        %swap3A_1331 = arith.constant 64 : index
        %swap3A_1332 = tpu.vector_load %arg12[%swap3A_1330, %swap3A_1331] {strides = array<i32>} : memref<128x128xf32, #tpu.memory_space<vmem>>, vector<1x16xf32>,
        %swap3A_1333 = vector.shape_cast %swap3A_1332 : vector<1x16xf32> to vector<16xf32>
        %swap3A_1334 = vector.shape_cast %mul3A_1329 : vector<16xf32> to vector<1x16xf32>
        tpu.vector_store %arg12[%swap3A_1330, %swap3A_1331], %swap3A_1334 {strides = array<i32>} : memref<128x128xf32, #tpu.memory_space<vmem>>, vector<1x16xf32>,
        %get3A_1335 = arith.index_cast %add3A_1284 : i32 to index
        %get3A_1336 = arith.constant 80 : index
        %get3A_1337 = tpu.vector_load %arg12[%get3A_1335, %get3A_1336] {strides = array<i32>} : memref<128x128xf32, #tpu.memory_space<vmem>>, vector<1x16xf32>,
        %get3A_1338 = vector.shape_cast %get3A_1337 : vector<1x16xf32> to vector<16xf32>
        %mul3A_1339 = arith.mulf %get3A_1338, %broadcast_in_dim3A_1280 : vector<16xf32>
        %swap3A_1340 = arith.index_cast %add3A_1284 : i32 to index
        %swap3A_1341 = arith.constant 80 : index
        %swap3A_1342 = tpu.vector_load %arg12[%swap3A_1340, %swap3A_1341] {strides = array<i32>} : memref<128x128xf32, #tpu.memory_space<vmem>>, vector<1x16xf32>,
        %swap3A_1343 = vector.shape_cast %swap3A_1342 : vector<1x16xf32> to vector<16xf32>
        %swap3A_1344 = vector.shape_cast %mul3A_1339 : vector<16xf32> to vector<1x16xf32>
        tpu.vector_store %arg12[%swap3A_1340, %swap3A_1341], %swap3A_1344 {strides = array<i32>} : memref<128x128xf32, #tpu.memory_space<vmem>>, vector<1x16xf32>,
        %get3A_1345 = arith.index_cast %add3A_1284 : i32 to index
        %get3A_1346 = arith.constant 96 : index
        %get3A_1347 = tpu.vector_load %arg12[%get3A_1345, %get3A_1346] {strides = array<i32>} : memref<128x128xf32, #tpu.memory_space<vmem>>, vector<1x16xf32>,
        %get3A_1348 = vector.shape_cast %get3A_1347 : vector<1x16xf32> to vector<16xf32>
        %mul3A_1349 = arith.mulf %get3A_1348, %broadcast_in_dim3A_1280 : vector<16xf32>
        %swap3A_1350 = arith.index_cast %add3A_1284 : i32 to index
        %swap3A_1351 = arith.constant 96 : index
        %swap3A_1352 = tpu.vector_load %arg12[%swap3A_1350, %swap3A_1351] {strides = array<i32>} : memref<128x128xf32, #tpu.memory_space<vmem>>, vector<1x16xf32>,
        %swap3A_1353 = vector.shape_cast %swap3A_1352 : vector<1x16xf32> to vector<16xf32>
        %swap3A_1354 = vector.shape_cast %mul3A_1349 : vector<16xf32> to vector<1x16xf32>
        tpu.vector_store %arg12[%swap3A_1350, %swap3A_1351], %swap3A_1354 {strides = array<i32>} : memref<128x128xf32, #tpu.memory_space<vmem>>, vector<1x16xf32>,
        %get3A_1355 = arith.index_cast %add3A_1284 : i32 to index
        %get3A_1356 = arith.constant 112 : index
        %get3A_1357 = tpu.vector_load %arg12[%get3A_1355, %get3A_1356] {strides = array<i32>} : memref<128x128xf32, #tpu.memory_space<vmem>>, vector<1x16xf32>,
        %get3A_1358 = vector.shape_cast %get3A_1357 : vector<1x16xf32> to vector<16xf32>
        %mul3A_1359 = arith.mulf %get3A_1358, %broadcast_in_dim3A_1280 : vector<16xf32>
        %swap3A_1360 = arith.index_cast %add3A_1284 : i32 to index
        %swap3A_1361 = arith.constant 112 : index
        %swap3A_1362 = tpu.vector_load %arg12[%swap3A_1360, %swap3A_1361] {strides = array<i32>} : memref<128x128xf32, #tpu.memory_space<vmem>>, vector<1x16xf32>,
        %swap3A_1363 = vector.shape_cast %swap3A_1362 : vector<1x16xf32> to vector<16xf32>
        %swap3A_1364 = vector.shape_cast %mul3A_1359 : vector<16xf32> to vector<1x16xf32>
        tpu.vector_store %arg12[%swap3A_1360, %swap3A_1361], %swap3A_1364 {strides = array<i32>} : memref<128x128xf32, #tpu.memory_space<vmem>>, vector<1x16xf32>,
        %slice3A_1365 = vector.extract_strided_slice %get3A_63 {offsets = [15], sizes = [1], strides = [1]} : vector<16xf32> to vector<1xf32>
        %squeeze3A_1366 = vector.extract %slice3A_1365[0] : f32 from vector<1xf32>
        %broadcast_in_dim3A_1367 = vector.broadcast %squeeze3A_1366 : f32 to vector<16xf32>
        %mul3A_1368 = arith.constant 16 : i32
        %mul3A_1369 = arith.muli %scan3A_58, %mul3A_1368 : i32
        %add3A_1370 = arith.constant 15 : i32
        %add3A_1371 = arith.addi %mul3A_1369, %add3A_1370 : i32
        %get3A_1372 = arith.index_cast %add3A_1371 : i32 to index
        %get3A_1373 = arith.constant 0 : index
        %get3A_1374 = tpu.vector_load %arg12[%get3A_1372, %get3A_1373] {strides = array<i32>} : memref<128x128xf32, #tpu.memory_space<vmem>>, vector<1x16xf32>,
        %get3A_1375 = vector.shape_cast %get3A_1374 : vector<1x16xf32> to vector<16xf32>
        %mul3A_1376 = arith.mulf %get3A_1375, %broadcast_in_dim3A_1367 : vector<16xf32>
        %swap3A_1377 = arith.index_cast %add3A_1371 : i32 to index
        %swap3A_1378 = arith.constant 0 : index
        %swap3A_1379 = tpu.vector_load %arg12[%swap3A_1377, %swap3A_1378] {strides = array<i32>} : memref<128x128xf32, #tpu.memory_space<vmem>>, vector<1x16xf32>,
        %swap3A_1380 = vector.shape_cast %swap3A_1379 : vector<1x16xf32> to vector<16xf32>
        %swap3A_1381 = vector.shape_cast %mul3A_1376 : vector<16xf32> to vector<1x16xf32>
        tpu.vector_store %arg12[%swap3A_1377, %swap3A_1378], %swap3A_1381 {strides = array<i32>} : memref<128x128xf32, #tpu.memory_space<vmem>>, vector<1x16xf32>,
        %get3A_1382 = arith.index_cast %add3A_1371 : i32 to index
        %get3A_1383 = arith.constant 16 : index
        %get3A_1384 = tpu.vector_load %arg12[%get3A_1382, %get3A_1383] {strides = array<i32>} : memref<128x128xf32, #tpu.memory_space<vmem>>, vector<1x16xf32>,
        %get3A_1385 = vector.shape_cast %get3A_1384 : vector<1x16xf32> to vector<16xf32>
        %mul3A_1386 = arith.mulf %get3A_1385, %broadcast_in_dim3A_1367 : vector<16xf32>
        %swap3A_1387 = arith.index_cast %add3A_1371 : i32 to index
        %swap3A_1388 = arith.constant 16 : index
        %swap3A_1389 = tpu.vector_load %arg12[%swap3A_1387, %swap3A_1388] {strides = array<i32>} : memref<128x128xf32, #tpu.memory_space<vmem>>, vector<1x16xf32>,
        %swap3A_1390 = vector.shape_cast %swap3A_1389 : vector<1x16xf32> to vector<16xf32>
        %swap3A_1391 = vector.shape_cast %mul3A_1386 : vector<16xf32> to vector<1x16xf32>
        tpu.vector_store %arg12[%swap3A_1387, %swap3A_1388], %swap3A_1391 {strides = array<i32>} : memref<128x128xf32, #tpu.memory_space<vmem>>, vector<1x16xf32>,
        %get3A_1392 = arith.index_cast %add3A_1371 : i32 to index
        %get3A_1393 = arith.constant 32 : index
        %get3A_1394 = tpu.vector_load %arg12[%get3A_1392, %get3A_1393] {strides = array<i32>} : memref<128x128xf32, #tpu.memory_space<vmem>>, vector<1x16xf32>,
        %get3A_1395 = vector.shape_cast %get3A_1394 : vector<1x16xf32> to vector<16xf32>
        %mul3A_1396 = arith.mulf %get3A_1395, %broadcast_in_dim3A_1367 : vector<16xf32>
        %swap3A_1397 = arith.index_cast %add3A_1371 : i32 to index
        %swap3A_1398 = arith.constant 32 : index
        %swap3A_1399 = tpu.vector_load %arg12[%swap3A_1397, %swap3A_1398] {strides = array<i32>} : memref<128x128xf32, #tpu.memory_space<vmem>>, vector<1x16xf32>,
        %swap3A_1400 = vector.shape_cast %swap3A_1399 : vector<1x16xf32> to vector<16xf32>
        %swap3A_1401 = vector.shape_cast %mul3A_1396 : vector<16xf32> to vector<1x16xf32>
        tpu.vector_store %arg12[%swap3A_1397, %swap3A_1398], %swap3A_1401 {strides = array<i32>} : memref<128x128xf32, #tpu.memory_space<vmem>>, vector<1x16xf32>,
        %get3A_1402 = arith.index_cast %add3A_1371 : i32 to index
        %get3A_1403 = arith.constant 48 : index
        %get3A_1404 = tpu.vector_load %arg12[%get3A_1402, %get3A_1403] {strides = array<i32>} : memref<128x128xf32, #tpu.memory_space<vmem>>, vector<1x16xf32>,
        %get3A_1405 = vector.shape_cast %get3A_1404 : vector<1x16xf32> to vector<16xf32>
        %mul3A_1406 = arith.mulf %get3A_1405, %broadcast_in_dim3A_1367 : vector<16xf32>
        %swap3A_1407 = arith.index_cast %add3A_1371 : i32 to index
        %swap3A_1408 = arith.constant 48 : index
        %swap3A_1409 = tpu.vector_load %arg12[%swap3A_1407, %swap3A_1408] {strides = array<i32>} : memref<128x128xf32, #tpu.memory_space<vmem>>, vector<1x16xf32>,
        %swap3A_1410 = vector.shape_cast %swap3A_1409 : vector<1x16xf32> to vector<16xf32>
        %swap3A_1411 = vector.shape_cast %mul3A_1406 : vector<16xf32> to vector<1x16xf32>
        tpu.vector_store %arg12[%swap3A_1407, %swap3A_1408], %swap3A_1411 {strides = array<i32>} : memref<128x128xf32, #tpu.memory_space<vmem>>, vector<1x16xf32>,
        %get3A_1412 = arith.index_cast %add3A_1371 : i32 to index
        %get3A_1413 = arith.constant 64 : index
        %get3A_1414 = tpu.vector_load %arg12[%get3A_1412, %get3A_1413] {strides = array<i32>} : memref<128x128xf32, #tpu.memory_space<vmem>>, vector<1x16xf32>,
        %get3A_1415 = vector.shape_cast %get3A_1414 : vector<1x16xf32> to vector<16xf32>
        %mul3A_1416 = arith.mulf %get3A_1415, %broadcast_in_dim3A_1367 : vector<16xf32>
        %swap3A_1417 = arith.index_cast %add3A_1371 : i32 to index
        %swap3A_1418 = arith.constant 64 : index
        %swap3A_1419 = tpu.vector_load %arg12[%swap3A_1417, %swap3A_1418] {strides = array<i32>} : memref<128x128xf32, #tpu.memory_space<vmem>>, vector<1x16xf32>,
        %swap3A_1420 = vector.shape_cast %swap3A_1419 : vector<1x16xf32> to vector<16xf32>
        %swap3A_1421 = vector.shape_cast %mul3A_1416 : vector<16xf32> to vector<1x16xf32>
        tpu.vector_store %arg12[%swap3A_1417, %swap3A_1418], %swap3A_1421 {strides = array<i32>} : memref<128x128xf32, #tpu.memory_space<vmem>>, vector<1x16xf32>,
        %get3A_1422 = arith.index_cast %add3A_1371 : i32 to index
        %get3A_1423 = arith.constant 80 : index
        %get3A_1424 = tpu.vector_load %arg12[%get3A_1422, %get3A_1423] {strides = array<i32>} : memref<128x128xf32, #tpu.memory_space<vmem>>, vector<1x16xf32>,
        %get3A_1425 = vector.shape_cast %get3A_1424 : vector<1x16xf32> to vector<16xf32>
        %mul3A_1426 = arith.mulf %get3A_1425, %broadcast_in_dim3A_1367 : vector<16xf32>
        %swap3A_1427 = arith.index_cast %add3A_1371 : i32 to index
        %swap3A_1428 = arith.constant 80 : index
        %swap3A_1429 = tpu.vector_load %arg12[%swap3A_1427, %swap3A_1428] {strides = array<i32>} : memref<128x128xf32, #tpu.memory_space<vmem>>, vector<1x16xf32>,
        %swap3A_1430 = vector.shape_cast %swap3A_1429 : vector<1x16xf32> to vector<16xf32>
        %swap3A_1431 = vector.shape_cast %mul3A_1426 : vector<16xf32> to vector<1x16xf32>
        tpu.vector_store %arg12[%swap3A_1427, %swap3A_1428], %swap3A_1431 {strides = array<i32>} : memref<128x128xf32, #tpu.memory_space<vmem>>, vector<1x16xf32>,
        %get3A_1432 = arith.index_cast %add3A_1371 : i32 to index
        %get3A_1433 = arith.constant 96 : index
        %get3A_1434 = tpu.vector_load %arg12[%get3A_1432, %get3A_1433] {strides = array<i32>} : memref<128x128xf32, #tpu.memory_space<vmem>>, vector<1x16xf32>,
        %get3A_1435 = vector.shape_cast %get3A_1434 : vector<1x16xf32> to vector<16xf32>
        %mul3A_1436 = arith.mulf %get3A_1435, %broadcast_in_dim3A_1367 : vector<16xf32>
        %swap3A_1437 = arith.index_cast %add3A_1371 : i32 to index
        %swap3A_1438 = arith.constant 96 : index
        %swap3A_1439 = tpu.vector_load %arg12[%swap3A_1437, %swap3A_1438] {strides = array<i32>} : memref<128x128xf32, #tpu.memory_space<vmem>>, vector<1x16xf32>,
        %swap3A_1440 = vector.shape_cast %swap3A_1439 : vector<1x16xf32> to vector<16xf32>
        %swap3A_1441 = vector.shape_cast %mul3A_1436 : vector<16xf32> to vector<1x16xf32>
        tpu.vector_store %arg12[%swap3A_1437, %swap3A_1438], %swap3A_1441 {strides = array<i32>} : memref<128x128xf32, #tpu.memory_space<vmem>>, vector<1x16xf32>,
        %get3A_1442 = arith.index_cast %add3A_1371 : i32 to index
        %get3A_1443 = arith.constant 112 : index
        %get3A_1444 = tpu.vector_load %arg12[%get3A_1442, %get3A_1443] {strides = array<i32>} : memref<128x128xf32, #tpu.memory_space<vmem>>, vector<1x16xf32>,
        %get3A_1445 = vector.shape_cast %get3A_1444 : vector<1x16xf32> to vector<16xf32>
        %mul3A_1446 = arith.mulf %get3A_1445, %broadcast_in_dim3A_1367 : vector<16xf32>
        %swap3A_1447 = arith.index_cast %add3A_1371 : i32 to index
        %swap3A_1448 = arith.constant 112 : index
        %swap3A_1449 = tpu.vector_load %arg12[%swap3A_1447, %swap3A_1448] {strides = array<i32>} : memref<128x128xf32, #tpu.memory_space<vmem>>, vector<1x16xf32>,
        %swap3A_1450 = vector.shape_cast %swap3A_1449 : vector<1x16xf32> to vector<16xf32>
        %swap3A_1451 = vector.shape_cast %mul3A_1446 : vector<16xf32> to vector<1x16xf32>
        tpu.vector_store %arg12[%swap3A_1447, %swap3A_1448], %swap3A_1451 {strides = array<i32>} : memref<128x128xf32, #tpu.memory_space<vmem>>, vector<1x16xf32>,
        %scan3A_1452 = arith.constant 0 : i32
        scf.yield %scan3A_1452 : i32
      }
      %scan3A_56 = arith.constant 8 : i32
      "tpu.region"() ({
        %run_scoped3A = tpu.sem_alloc : memref<!tpu.dma_semaphore, #tpu.memory_space<semaphore_mem>>
        %dma_start3A_58 = arith.constant 0 : i32
        %dma_start3A_59 = arith.constant 0 : i32
        %dma_start3A_60 = tpu.memref_slice %arg13[%dma_start3A_58, %dma_start3A_59] : memref<4096x128xf32, #tpu.memory_space<vmem_shared>> -> memref<4096x128xf32, #tpu.memory_space<vmem_shared>>
        tpu.enqueue_indirect_dma source(%arg12 : memref<128x128xf32, #tpu.memory_space<vmem>>) target(%dma_start3A_60 : memref<4096x128xf32, #tpu.memory_space<vmem_shared>>) offsets(%arg10 : memref<128xi32, #tpu.memory_space<vmem>>) semaphore(%run_scoped3A : memref<!tpu.dma_semaphore, #tpu.memory_space<semaphore_mem>>) {add = true}
        %dma_wait3A_61 = arith.constant 0 : i32
        %dma_wait3A_62 = arith.constant 0 : i32
        %dma_wait3A_63 = tpu.memref_slice %arg13[%dma_wait3A_61, %dma_wait3A_62] : memref<4096x128xf32, #tpu.memory_space<vmem_shared>> -> memref<4096x128xf32, #tpu.memory_space<vmem_shared>>
        tpu.wait_indirect_dma semaphore(%run_scoped3A : memref<!tpu.dma_semaphore, #tpu.memory_space<semaphore_mem>>) src(%arg12 : memref<128x128xf32, #tpu.memory_space<vmem>>) dst(%dma_wait3A_63 : memref<4096x128xf32, #tpu.memory_space<vmem_shared>>)
        tpu.yield
      }) : () -> ()
      %scan3A_57 = arith.constant 0 : i32
      scf.yield %scan3A_57 : i32
    }
    %scan3A_16 = arith.constant 82 : i32
    %barrier3A_17 = arith.constant 0 : index
    tpu.barrier barrier_id(%barrier3A_17)
    %eq3A = arith.constant 0 : i32
    %eq3A_18 = arith.cmpi eq, %arg0, %eq3A : i32
    %convert_element_type3A = arith.extui %eq3A_18 : i1 to i32
    %cond3A = arith.constant 0 : i32
    %cond3A_19 = arith.cmpi ne, %convert_element_type3A, %cond3A : i32
    scf.if %cond3A_19 {
      "tpu.region"() ({
        %run_scoped3A = tpu.sem_alloc : memref<!tpu.dma_semaphore, #tpu.memory_space<semaphore_mem>>
        %dma_start3A = arith.constant 0 : i32
        %dma_start3A_25 = tpu.memref_slice %arg7[%mul3A_2, %dma_start3A] : memref<4096x128xf32, #tpu.memory_space<hbm>> -> memref<256x128xf32, #tpu.memory_space<hbm>>
        %dma_start3A_26 = arith.constant 0 : i32
        %dma_start3A_27 = tpu.memref_slice %arg13[%mul3A_2, %dma_start3A_26] : memref<4096x128xf32, #tpu.memory_space<vmem_shared>> -> memref<256x128xf32, #tpu.memory_space<vmem_shared>>
        tpu.enqueue_dma source(%dma_start3A_27 : memref<256x128xf32, #tpu.memory_space<vmem_shared>>) target(%dma_start3A_25 : memref<256x128xf32, #tpu.memory_space<hbm>>) target_semaphore(%run_scoped3A : memref<!tpu.dma_semaphore, #tpu.memory_space<semaphore_mem>>)
        %dma_wait3A = arith.constant 0 : i32
        %dma_wait3A_28 = tpu.memref_slice %arg7[%mul3A_2, %dma_wait3A] : memref<4096x128xf32, #tpu.memory_space<hbm>> -> memref<256x128xf32, #tpu.memory_space<hbm>>
        %dma_wait3A_29 = arith.constant 0 : i32
        %dma_wait3A_30 = tpu.memref_slice %arg13[%mul3A_2, %dma_wait3A_29] : memref<4096x128xf32, #tpu.memory_space<vmem_shared>> -> memref<256x128xf32, #tpu.memory_space<vmem_shared>>
        tpu.wait_dma2 semaphore(%run_scoped3A : memref<!tpu.dma_semaphore, #tpu.memory_space<semaphore_mem>>) src(%dma_wait3A_30 : memref<256x128xf32, #tpu.memory_space<vmem_shared>>) dst(%dma_wait3A_28 : memref<256x128xf32, #tpu.memory_space<hbm>>)
        tpu.yield
      }) : () -> ()
    } else {
    }
    %eq3A_20 = arith.constant 1 : i32
    %eq3A_21 = arith.cmpi eq, %arg0, %eq3A_20 : i32
    %convert_element_type3A_22 = arith.extui %eq3A_21 : i1 to i32
    %cond3A_23 = arith.constant 0 : i32
    %cond3A_24 = arith.cmpi ne, %convert_element_type3A_22, %cond3A_23 : i32
    scf.if %cond3A_24 {
      "tpu.region"() ({
        %run_scoped3A = tpu.sem_alloc : memref<!tpu.dma_semaphore, #tpu.memory_space<semaphore_mem>>
        %dma_start3A = arith.constant 0 : i32
        %dma_start3A_25 = tpu.memref_slice %arg8[%mul3A_2, %dma_start3A] : memref<4096x128xf32, #tpu.memory_space<hbm>> -> memref<256x128xf32, #tpu.memory_space<hbm>>
        %dma_start3A_26 = arith.constant 0 : i32
        %dma_start3A_27 = tpu.memref_slice %arg13[%mul3A_2, %dma_start3A_26] : memref<4096x128xf32, #tpu.memory_space<vmem_shared>> -> memref<256x128xf32, #tpu.memory_space<vmem_shared>>
        tpu.enqueue_dma source(%dma_start3A_27 : memref<256x128xf32, #tpu.memory_space<vmem_shared>>) target(%dma_start3A_25 : memref<256x128xf32, #tpu.memory_space<hbm>>) target_semaphore(%run_scoped3A : memref<!tpu.dma_semaphore, #tpu.memory_space<semaphore_mem>>)
        %dma_wait3A = arith.constant 0 : i32
        %dma_wait3A_28 = tpu.memref_slice %arg8[%mul3A_2, %dma_wait3A] : memref<4096x128xf32, #tpu.memory_space<hbm>> -> memref<256x128xf32, #tpu.memory_space<hbm>>
        %dma_wait3A_29 = arith.constant 0 : i32
        %dma_wait3A_30 = tpu.memref_slice %arg13[%mul3A_2, %dma_wait3A_29] : memref<4096x128xf32, #tpu.memory_space<vmem_shared>> -> memref<256x128xf32, #tpu.memory_space<vmem_shared>>
        tpu.wait_dma2 semaphore(%run_scoped3A : memref<!tpu.dma_semaphore, #tpu.memory_space<semaphore_mem>>) src(%dma_wait3A_30 : memref<256x128xf32, #tpu.memory_space<vmem_shared>>) dst(%dma_wait3A_28 : memref<256x128xf32, #tpu.memory_space<hbm>>)
        tpu.yield
      }) : () -> ()
    } else {
    }
    return
  }
}

</mosaic_0001>

<sc_bundles>
// kernel: kernel.3.cloned.1.call-start
scs
__scs_entry_jumppad:
0x0: {  	(pc) =	sbr.rel $0x88, $3  }
0x1: {  	(tag) =	ssettag $0x0;
	lr =	simm.s32 $0x1  }
0x2: {  	[smem:$0x3F9D] =	sst lr;
	_ =	strace $0xD0000000  }
0x3: {  	_ = 	snop  }
0x4: {  	_ = 	snop  }
0x5: {  	_ = 	snop  }
0x6: {  	_ = 	snop  }
0x7: {  	_ = 	snop  }
__scs_overlays_trampoline_lowered:
0x8: {  	[smem:$0x3FAC] =	sst s0  }
0x9: {  	[smem:$0x3FAD] =	sst s1  }
0xa: {  	[smem:$0x3FAE] =	sst s2  }
0xb: {  	[smem:$0x3FAF] =	sst s3  }
0xc: {  	[smem:$0x3FB0] =	sst s4  }
0xd: {  	[smem:$0x3FB1] =	sst s5  }
0xe: {  	[smem:$0x3FB2] =	sst s6  }
0xf: {  	[smem:$0x3FB3] =	sst s7  }
0x10: {  	[smem:$0x3FB4] =	sst s8  }
0x11: {  	[smem:$0x3FB5] =	sst s9;
	s0 =	simm.s32 @!p0 $0x0  }
0x12: {  	s1 =	sld [smem:$0x3F9B];
	s0 =	simm.s32 @p0 $0x1  }
0x13: {  	[smem:$0x3FB6] =	sst s0;
	s0 =	simm.s32 @!p1 $0x0  }
0x14: {  	s2 =	sld [smem:$0x3F9A];
	s0 =	simm.s32 @p1 $0x1  }
0x15: {  	[smem:$0x3FB7] =	sst s0;
	s0 =	simm.s32 @!p2 $0x0  }
0x16: {  	s3 =	sld [smem:$0x3FDB];
	s0 =	simm.s32 @p2 $0x1  }
0x17: {  	s4 =	simm.s32 $0x1BF5;
	[smem:$0x3FB9] =	sst s0  }
0x18: {  	s0 =	sld [smem:$0x3F9C];
	_ =	swait.ge [sflag:s4], $0x0  }
0x19: {  	s7 =	sld [smem:$0x3F9D]  }
0x1a: {  	s8 =	sadd.s32 $0xFFFFE003, lr  }
0x1b: {  	s9 =	sadd.s32 $0xFFFFFEF7, lr;
	s5 =	simm.s32 $0xFFFFFFFF;
	p2 =	slt.u32 s8, $0xFFFFF086  }
0x1c: {  	p1 =	slt.u32 s9, $0xF7A;
	s5 =	simm.s32 @!p2 $0x0  }
0x1d: {  	s5 =	simm.s32 @p1 $0x1;
	p0 =	seq.s32 s7, s2  }
0x1e: {  	s7 =	smul.u32 @!p0 $0xF7A, s2;
	p2 =	seq.s32 @!p0 s5, $0x0  }
0x1f: {  	s9 =	smul.u32 $0xF7A, s1;
	s8 =	simm.s32 @!p0 $0x1BF5;
	p2 =	por !p2, p0  }
0x20: {  	[sflag:s8] =	ssyncset.s32 @!p0 $0xFFFFF086;
	s6 =	sadd.s32 @!p0 s3, s7;
	s7 =	simm.s32 @!p0 $0x108  }
0x21: {  	s3 =	sadd.s32 s3, s9;
	s6 =	sadd.s32 @!p0 $0x88, s6;
	s7 =	simm.s32 @p2 $0x1082  }
0x22: {  	[simem:s7], [sflag:s8] =	dma.local @!p0 [hbm:s6], $0xF7A  }
0x23: {  	s9 =	sor.u32 $0xD0000000, s2;
	s6 =	simm.s32 $0x108;
	_ =	swait.ge @!p0 [sflag:s8], $0x0  }
0x24: {  	s3 =	sadd.s32 $0x88, s3;
	s6 =	simm.s32 @!p1 $0x1082;
	[sflag:s4] =	ssyncset.s32 $0xFFFFF086  }
0x25: {  	[simem:s6], [sflag:s4] =	dma.local [hbm:s3], $0xF7A  }
0x26: {  	[smem:$0x3F9D] =	sst s1;
	(tag) =	ssettag s2;
	_ =	strace s9  }
0x27: {  	s1 =	sld [smem:$0x3FAD]  }
0x28: {  	s2 =	sld [smem:$0x3FAE]  }
0x29: {  	s4 =	sld [smem:$0x3FB0]  }
0x2a: {  	p0 =	seq.s32 s5, $0x0;
	s5 =	sld [smem:$0x3FB1]  }
0x2b: {  	s6 =	sld [smem:$0x3FB2]  }
0x2c: {  	s7 =	sld [smem:$0x3FB3]  }
0x2d: {  	s3 =	simm.s32 $0x108;
	s8 =	sld [smem:$0x3FB4]  }
0x2e: {  	s3 =	simm.s32 @!p0 $0x1082;
	s9 =	sld [smem:$0x3FB5]  }
0x2f: {  	lr =	sadd.s32 s0, s3;
	s0 =	sld [smem:$0x3FAC]  }
0x30: {  	s3 =	sld [smem:$0x3FAF]  }
0x31: {  	[smem:$0x3FB8] =	sst s10  }
0x32: {  	s10 =	sld [smem:$0x3FB6];
	_ =	sdelay $0x3  }
0x33: {  	p0 =	seq.s32 s10, $0x1;
	s10 =	sld [smem:$0x3FB8];
	_ =	sdelay $0x3  }
0x34: {  	[smem:$0x3FB8] =	sst s10  }
0x35: {  	s10 =	sld [smem:$0x3FB7];
	_ =	sdelay $0x3  }
0x36: {  	p1 =	seq.s32 s10, $0x1;
	s10 =	sld [smem:$0x3FB8];
	_ =	sdelay $0x3  }
0x37: {  	[smem:$0x3FB8] =	sst s10  }
0x38: {  	s10 =	sld [smem:$0x3FB9]  }
0x39: {  	_ = 	snop;
	(pc) =	sbr.ind lr, $3  }
0x3a: {  	_ = 	snop  }
0x3b: {  	_ = 	snop  }
0x3c: {  	p2 =	seq.s32 s10, $0x1;
	s10 =	sld [smem:$0x3FB8]  }
0x3d: {  	_ =	shalt  }
0x3e: {  	_ =	shalt  }
0x3f: {  	_ =	shalt  }
0x40: {  	_ =	shalt  }
0x41: {  	_ =	shalt  }
0x42: {  	_ =	shalt  }
0x43: {  	_ =	shalt  }
0x44: {  	_ =	shalt  }
0x45: {  	_ =	shalt  }
0x46: {  	_ =	shalt  }
0x47: {  	_ =	shalt  }
0x48: {  	_ =	shalt  }
0x49: {  	_ =	shalt  }
0x4a: {  	_ =	shalt  }
0x4b: {  	_ =	shalt  }
0x4c: {  	_ =	shalt  }
0x4d: {  	_ =	shalt  }
0x4e: {  	_ =	shalt  }
0x4f: {  	_ =	shalt  }
0x50: {  	_ =	shalt  }
0x51: {  	_ =	shalt  }
0x52: {  	_ =	shalt  }
0x53: {  	_ =	shalt  }
0x54: {  	_ =	shalt  }
0x55: {  	_ =	shalt  }
0x56: {  	_ =	shalt  }
0x57: {  	_ =	shalt  }
0x58: {  	_ =	shalt  }
0x59: {  	_ =	shalt  }
0x5a: {  	_ =	shalt  }
0x5b: {  	_ =	shalt  }
0x5c: {  	_ =	shalt  }
0x5d: {  	_ =	shalt  }
0x5e: {  	_ =	shalt  }
0x5f: {  	_ =	shalt  }
0x60: {  	_ =	shalt  }
0x61: {  	_ =	shalt  }
0x62: {  	_ =	shalt  }
0x63: {  	_ =	shalt  }
0x64: {  	_ =	shalt  }
0x65: {  	_ =	shalt  }
0x66: {  	_ =	shalt  }
0x67: {  	_ =	shalt  }
0x68: {  	_ =	shalt  }
0x69: {  	_ =	shalt  }
0x6a: {  	_ =	shalt  }
0x6b: {  	_ =	shalt  }
0x6c: {  	_ =	shalt  }
0x6d: {  	_ =	shalt  }
0x6e: {  	_ =	shalt  }
0x6f: {  	_ =	shalt  }
0x70: {  	_ =	shalt  }
0x71: {  	_ =	shalt  }
0x72: {  	_ =	shalt  }
0x73: {  	_ =	shalt  }
0x74: {  	_ =	shalt  }
0x75: {  	_ =	shalt  }
0x76: {  	_ =	shalt  }
0x77: {  	_ =	shalt  }
0x78: {  	_ =	shalt  }
0x79: {  	_ =	shalt  }
0x7a: {  	_ =	shalt  }
0x7b: {  	_ =	shalt  }
0x7c: {  	_ =	shalt  }
0x7d: {  	_ =	shalt  }
0x7e: {  	_ =	shalt  }
0x7f: {  	_ =	shalt  }
0x80: {  	_ =	shalt  }
0x81: {  	_ =	shalt  }
0x82: {  	_ =	shalt  }
0x83: {  	_ =	shalt  }
0x84: {  	_ =	shalt  }
0x85: {  	_ =	shalt  }
0x86: {  	_ =	shalt  }
0x87: {  	_ =	shalt  }
.Lfunc_end0:
.L_simem_size_0:
called_computation_lowered:
.L_overlay_start_0:
0x88: {  	s2 =	sld [smem:$0x3FD9]  }
0x89: {  	s3 =	sld [smem:$0x3FFE];
	_ =	sdelay $0x1  }
0x8a: {  	s1 =	srdreg.scid  }
0x8b: {  	s0 =	sand.u32 $0x1, s1  }
0x8c: {  	s17 =	sshll.u32 s0, $0xA;
	s2 =	sadd.s32 s3, s2  }
0x8d: {  	s2 =	sadd.s32 s2, s17  }
0x8e: {  	[smem:$0x3FC4] =	sst s2  }
0x8f: {  	_ = 	snop  }
0x90: {  	s2 =	sld [smem:$0x3FD0];
	(tm) =	ssettm $0x1  }
0x91: {  	s18 =	sld [smem:$0x3FFB];
	_ =	sdelay $0x3  }
0x92: {  	_ =	strace s18  }
0x93: {  	s3 =	sld [smem:$0x3FFC];
	_ =	sdelay $0x3  }
0x94: {  	_ =	strace s3  }
0x95: {  	s3 =	sld [smem:$0x3FFD];
	_ =	sdelay $0x3  }
0x96: {  	_ =	strace s3  }
0x97: {  	_ =	strace $0x8FFFFFFF  }
0x98: {  	s19 =	sld [smem:$0x3FDB];
	_ =	sdelay $0x1  }
0x99: {  	s4 =	simm.s32 $_scs_section_size  }
0x9a: {  	s5 =	simm.s32 $_size__tile_overlayer_lowered;
	s6 =	simm.s32 $_tile_overlayer_lowered  }
0x9b: {  	s22 =	simm.s32 $0x1BFF;
	s21 =	sshll.u32 s6, $0x1;
	s3 =	sadd.s32 s4, s19  }
0x9c: {  	s7 =	simm.s32 $0x0;
	s20 =	sshll.u32 s5, $0x1;
	s5 =	sadd.s32 s21, s3  }
0x9d: {  	[timem:s7], [sflag:s22] =	dma.local [hbm:s5], s20  }
0x9e: {  	_ =	swait.ge [sflag:s22], s20  }
0x9f: {  	s4 =	ssub.s32 $0x0, s20;
	[sflag:s22] =	ssyncset.done $0x0  }
0xa0: {  	[sflag:s22] =	ssyncadd.s32 s4;
	_ =	sdelay $0x1  }
0xa1: {  	s23 =	simm.s32 $0x1B8B  }
0xa2: {  	_ =	swait.ge [sflag:s23], $0x1  }
0xa3: {  	[sflag:s23] =	ssyncset.done $0x0  }
0xa4: {  	s25 =	simm.s32 $0x1B8E;
	s24 =	sld [smem:$0x3FFE];
	[sflag:s23] =	ssyncadd.s32 $0xFFFFFFFF  }
0xa5: {  	s26 =	simm.s32 $execute0_lowered;
	[smem:$0x3FD2] =	sst s25  }
0xa6: {  	s5 =	sshll.u32 s26, $0x1;
	_ =	strace $0x80000046;
	[dreg:$0x1] =	wrdreg $0xFFFFFFFF  }
0xa7: {  	s28 =	simm.s32 $_size_execute0_lowered;
	s3 =	sadd.s32 s3, s5;
	[dreg:$0x0] =	wrdreg $0x0  }
0xa8: {  	s5 =	sshll.u32 s28, $0x1;
	[dreg:$0x2] =	wrdreg s3  }
0xa9: {  	[dreg:$0x3] =	wrdreg s5  }
0xaa: {  	[dreg:$0x4] =	wrdreg $0xC0  }
0xab: {  	_ =	task [dreg:s7], $0x5FFFF  }
0xac: {  	[dreg:$0x1] =	wrdreg $0xFFFFFFFF  }
0xad: {  	[dreg:$0x0] =	wrdreg $0x60  }
0xae: {  	[dreg:$0x2] =	wrdreg s24  }
0xaf: {  	[dreg:$0x3] =	wrdreg s2  }
0xb0: {  	[dreg:$0x4] =	wrdreg $0x41800  }
0xb1: {  	[dreg:$0x5] =	wrdreg $0x9  }
0xb2: {  	_ =	task.clear_ibuf [dreg:s7], $0x6FFFF;
	_ =	strace $0x90000046  }
0xb3: {  	s29 =	simm.s32 $0x9;
	_ =	strace $0x80000048  }
0xb4: {  	_ =	swait.ge [sflag:s29], $0x1  }
0xb5: {  	[sflag:s29] =	ssyncadd.s32 $0xFFFFFFFF  }
0xb6: {  	_ =	strace $0x90000048  }
0xb7: {  	_ =	sfence  }
0xb8: {  	s30 =	sld [smem:$0x0];
	_ =	sdelay $0x2  }
0xb9: {  	s31 =	sshll.u32 s1, $0xD;
	s1 =	sshrl.u32 s1, $0x2  }
0xba: {  	s3 =	sand.u32 $0x4000, s31;
	s1 =	sadd.s32 s1, s30  }
0xbb: {  	s0 =	sor.u32 s3, s0;
	s1 =	sshll.u32 s1, $0x11  }
0xbc: {  	s0 =	sor.u32 s1, s0  }
0xbd: {  	s0 =	sadd.s32 $0x8F2B, s0  }
0xbe: {  	[sflag:s0] =	ssyncadd.remote.s32 $0x1  }
0xbf: {  	_ =	sfence.sel $0xFFFF  }
0xc0: {  	[dreg:$0x0] =	wrdreg $0xFFFFFFFF;
	(pc) =	sbr.abs _section_cstart, $3  }
0xc1: {  	[dreg:$0x1] =	wrdreg $0xFFFFFFFF  }
0xc2: {  	_ =	task.clear_ibuf [dreg:s7], $0x2FFFF;
	_ =	strace $0x9FFFFFFF  }
0xc3: {  	(tm) =	ssettm $0x7FFFFFFF  }
tec
execute0_lowered:
.L_overlay_start_1:
0x0: {  	(tag) =	ssettag $0x1  }
0x1: {  	s8 =	rddreg [dreg:$0x0]  }
0x2: {  	s12 =	rddreg [dreg:$0x1]  }
0x3: {  	s1 =	rddreg [dreg:$0x2]  }
0x4: {  	s0 =	rddreg [dreg:$0x3];
	s2 =	simm.s32 $0x0  }
0x5: {  	s9 =	srdreg.scid;
	s4 =	stileid.u32;
	s16 =	simm.s32 $0x100  }
0x6: {  	s17 =	simm.s32 $0x1;
	s18 =	simm.s32 $0x2;
	[smem:$0x7FF] =	sst s2  }
0x7: {  	s3 =	sadd.s32 $0xB000, s8;
	s5 =	sadd.s32 $0xC00, s8;
	s6 =	sadd.s32 $0x5E00, s8  }
0x8: {  	s7 =	sadd.s32 $0x1B000, s8;
	s10 =	sand.u32 $0x1, s9;
	s13 =	sadd.s32 $0x20200, s8  }
0x9: {  	s11 =	sshll.u32 s4, $0xF;
	s14 =	sadd.s32 $0x30200, s8;
	s31 =	sshll.u32 s4, $0xC  }
0xa: {  	s19 =	sshll.u32 s4, $0x6;
	_ =	strace $0x80000047;
	s9 =	ssub.s32 $0x2, s10  }
0xb: {  	s8 =	sadd.s32 s11, s1;
	p0 =	seq.s32 s10, $0x1;
	s10 =	smul.u32 $0x52, s4  }
0xc: {  	s19 =	sor.u32 $0x1C03, s19;
	s15 =	sshrl.u32 s9, $0x1;
	s13 =	smov.u32 @p0 s14  }
0xd: {  	s3 =	smov.u32 @p0 s12;
	s14 =	simm.s32 $0x3;
	s20 =	sshrl.u32 s8, $0x3  }
0xe: {  	s30 =	ssub.s32 s9, s15;
	s9 =	sadd.s32 $0x4000, s8;
	s12 =	sadd.s32 s13, s31  }
0xf: {  	v0 =	vimm.f32 $0.0e+00;
	s13 =	simm.s32 $0x180;
	s15 =	simm.s32 $0x80;
	s11 =	smax.u32 s30, $0x1  }
.LBB2_1:
0x10: {  	s21 =	simm.s32 $0x0;
	s22 =	simm.s32 $0x200  }
.LBB2_2:
0x11: {  	p0 =	sne.s32 s22, $0xFE00;
	[tilespmem:s21+$0x1F0] =	vst v0  }
0x12: {  	[tilespmem:s21+$0x180] =	vst v0  }
0x13: {  	[tilespmem:s21+$0x190] =	vst v0  }
.Ltmp0:
0x14: {  	[tilespmem:s21+$0x1A0] =	vst v0;
	(pc) =	sbr.rel @p0 .LBB2_2-.Ltmp0, $4  }
0x15: {  	[tilespmem:s21+$0x1B0] =	vst v0  }
0x16: {  	[tilespmem:s21+$0x1C0] =	vst v0  }
0x17: {  	[tilespmem:s21+$0x1D0] =	vst v0  }
0x18: {  	[tilespmem:s21+$0x1E0] =	vst v0;
	s21 =	sshra.s32 s22, $0x2;
	s22 =	sadd.s32 $0x200, s22  }
0x19: {  	[tilespmem:s21+$0x1F0] =	vst v0  }
0x1a: {  	[tilespmem:s21+$0x180] =	vst v0  }
0x1b: {  	[tilespmem:s21+$0x190] =	vst v0  }
0x1c: {  	[tilespmem:s21+$0x1A0] =	vst v0  }
0x1d: {  	[tilespmem:s21+$0x1B0] =	vst v0  }
0x1e: {  	[tilespmem:s21+$0x1C0] =	vst v0  }
0x1f: {  	[tilespmem:s21+$0x1D0] =	vst v0  }
0x20: {  	[tilespmem:s21+$0x1E0] =	vst v0  }
0x21: {  	[spmem:s8] =	stream.linear.scatter [tilespmem:s13], [sflag:$0x3], $0x4000, $0x38;
	[tilespmem:$0xC180] =	vst v63  }
0x22: {  	_ =	swait.ge [sflag:s14], $0x4000  }
0x23: {  	[sflag:s14] =	ssyncset.done $0x0  }
0x24: {  	[sflag:s14] =	ssyncadd.s32 $0xFFFFC000  }
0x25: {  	[spmem:s9] =	stream.linear.scatter [tilespmem:s13], [sflag:$0x3], $0x4000, $0x38;
	[tilespmem:$0xC180] =	vst v63  }
0x26: {  	_ =	swait.ge [sflag:s14], $0x4000  }
0x27: {  	[sflag:s14] =	ssyncset.done $0x0  }
0x28: {  	[sflag:s14] =	ssyncadd.s32 $0xFFFFC000  }
0x29: {  	s21 =	simm.s32 $0x0;
	s22 =	simm.s32 $0x0;
	[bflag:$0x0] =	sbarrier.arrive $0xFFFF  }
.LBB2_4:
0x2a: {  	s23 =	sadd.s32 s10, s22  }
0x2b: {  	s23 =	sshll.u32 s23, $0x4  }
0x2c: {  	s24 =	sadd.s32 s6, s23  }
0x2d: {  	[tilespmem:s21], [sflag:$0x1] =	stream.linear.gather [hbm4b:s24+s21], $0x80, $0x38;
	[tilespmem:$0xC180] =	vst v63  }
0x2e: {  	s31 =	sadd.s32 s5, s23  }
0x2f: {  	[tilespmem:s15], [sflag:$0x1] =	stream.linear.gather [hbm4b:s31+s21], $0x80, $0x38;
	[tilespmem:$0xC180] =	vst v63  }
0x30: {  	s23 =	sadd.s32 s7, s23  }
0x31: {  	[tilespmem:s16], [sflag:$0x1] =	stream.linear.gather [hbm4b:s23+s21], $0x80, $0x38;
	[tilespmem:$0xC180] =	vst v63  }
0x32: {  	_ =	swait.ge [sflag:s17], $0x80  }
0x33: {  	[sflag:s17] =	ssyncset.done $0x0  }
0x34: {  	[sflag:s17] =	ssyncadd.s32 $0xFFFFFF80  }
0x35: {  	_ =	swait.ge [sflag:s17], $0x80  }
0x36: {  	[sflag:s17] =	ssyncset.done $0x0  }
0x37: {  	[sflag:s17] =	ssyncadd.s32 $0xFFFFFF80  }
0x38: {  	_ =	swait.ge [sflag:s17], $0x80  }
0x39: {  	[sflag:s17] =	ssyncset.done $0x0  }
0x3a: {  	[sflag:s17] =	ssyncadd.s32 $0xFFFFFF80  }
0x3b: {  	[tilespmem:s13], [sflag:$0x2] =	stream.indirect.gather [hbm4b:s3+s15], $0x80, s21, s15, $0xb8;
	[tilespmem:$0xC180] =	vst v63  }
0x3c: {  	_ =	swait.ge [sflag:s18], $0x4000  }
0x3d: {  	[sflag:s18] =	ssyncset.done $0x0  }
0x3e: {  	s23 =	simm.s32 $0x0;
	[sflag:s18] =	ssyncadd.s32 $0xFFFFC000  }
.LBB2_5:
0x3f: {  	s24 =	sshll.u32 s23, $0x4  }
0x40: {  	s24 =	sand.u32 $0x3FFFFFF0, s24  }
0x41: {  	s31 =	sshll.u32 s23, $0xB;
	v1 =	vld [tilespmem:s24+$0x100]  }
0x42: {  	s24 =	sand.u32 $0x3FFFF800, s31  }
0x43: {  	v2 =	vld [tilespmem:s24+$0x180]  }
0x44: {  	v3 =	vld [tilespmem:s24+$0x190]  }
0x45: {  	v4 =	vld [tilespmem:s24+$0x1A0]  }
0x46: {  	v6 =	vld [tilespmem:s24+$0x1B0];
	v5 =	vbroadcast v1, $0x0  }
0x47: {  	v7 =	vld [tilespmem:s24+$0x1C0]  }
0x48: {  	v8 =	vld [tilespmem:s24+$0x1D0];
	v2 =	vmul.f32 v5, v2  }
0x49: {  	v9 =	vld [tilespmem:s24+$0x1E0];
	v3 =	vmul.f32 v3, v5  }
0x4a: {  	v34 =	vld [tilespmem:s24+$0x1F0];
	[tilespmem:s24+$0x180] =	vst v2;
	v2 =	vmul.f32 v4, v5  }
0x4b: {  	v35 =	vld [tilespmem:s24+$0x200];
	[tilespmem:s24+$0x190] =	vst v3;
	v3 =	vmul.f32 v6, v5  }
0x4c: {  	v36 =	vld [tilespmem:s24+$0x210];
	[tilespmem:s24+$0x1A0] =	vst v2;
	v2 =	vmul.f32 v7, v5  }
0x4d: {  	v37 =	vld [tilespmem:s24+$0x220];
	[tilespmem:s24+$0x1B0] =	vst v3;
	v3 =	vmul.f32 v8, v5  }
0x4e: {  	v10 =	vld [tilespmem:s24+$0x230];
	v38 =	vbroadcast v1, $0x1;
	[tilespmem:s24+$0x1C0] =	vst v2;
	v2 =	vmul.f32 v9, v5  }
0x4f: {  	v39 =	vld [tilespmem:s24+$0x240];
	[tilespmem:s24+$0x1D0] =	vst v3;
	v3 =	vmul.f32 v34, v5  }
0x50: {  	v40 =	vld [tilespmem:s24+$0x250];
	[tilespmem:s24+$0x1E0] =	vst v2;
	v2 =	vmul.f32 v35, v38  }
0x51: {  	v41 =	vld [tilespmem:s24+$0x260];
	[tilespmem:s24+$0x1F0] =	vst v3;
	v3 =	vmul.f32 v36, v38  }
0x52: {  	v42 =	vld [tilespmem:s24+$0x270];
	[tilespmem:s24+$0x200] =	vst v2;
	v2 =	vmul.f32 v37, v38  }
0x53: {  	v43 =	vld [tilespmem:s24+$0x280];
	[tilespmem:s24+$0x210] =	vst v3;
	v3 =	vmul.f32 v10, v38  }
0x54: {  	v44 =	vld [tilespmem:s24+$0x290];
	[tilespmem:s24+$0x220] =	vst v2;
	v2 =	vmul.f32 v39, v38  }
0x55: {  	v45 =	vld [tilespmem:s24+$0x2A0];
	[tilespmem:s24+$0x230] =	vst v3;
	v3 =	vmul.f32 v40, v38  }
0x56: {  	v47 =	vld [tilespmem:s24+$0x2B0];
	v46 =	vbroadcast v1, $0x2;
	[tilespmem:s24+$0x240] =	vst v2;
	v2 =	vmul.f32 v41, v38  }
0x57: {  	v48 =	vld [tilespmem:s24+$0x2C0];
	[tilespmem:s24+$0x250] =	vst v3;
	v3 =	vmul.f32 v42, v38  }
0x58: {  	v49 =	vld [tilespmem:s24+$0x2D0];
	[tilespmem:s24+$0x260] =	vst v2;
	v2 =	vmul.f32 v43, v46  }
0x59: {  	v50 =	vld [tilespmem:s24+$0x2E0];
	[tilespmem:s24+$0x270] =	vst v3;
	v3 =	vmul.f32 v44, v46  }
0x5a: {  	v51 =	vld [tilespmem:s24+$0x2F0];
	[tilespmem:s24+$0x280] =	vst v2;
	v2 =	vmul.f32 v45, v46  }
0x5b: {  	v52 =	vld [tilespmem:s24+$0x300];
	[tilespmem:s24+$0x290] =	vst v3;
	v3 =	vmul.f32 v47, v46  }
0x5c: {  	v53 =	vld [tilespmem:s24+$0x310];
	[tilespmem:s24+$0x2A0] =	vst v2;
	v2 =	vmul.f32 v48, v46  }
0x5d: {  	v54 =	vld [tilespmem:s24+$0x320];
	[tilespmem:s24+$0x2B0] =	vst v3;
	v3 =	vmul.f32 v49, v46  }
0x5e: {  	v56 =	vld [tilespmem:s24+$0x330];
	v55 =	vbroadcast v1, $0x3;
	[tilespmem:s24+$0x2C0] =	vst v2;
	v2 =	vmul.f32 v50, v46  }
0x5f: {  	v57 =	vld [tilespmem:s24+$0x340];
	[tilespmem:s24+$0x2D0] =	vst v3;
	v3 =	vmul.f32 v51, v46  }
0x60: {  	v58 =	vld [tilespmem:s24+$0x350];
	[tilespmem:s24+$0x2E0] =	vst v2;
	v2 =	vmul.f32 v52, v55  }
0x61: {  	v59 =	vld [tilespmem:s24+$0x360];
	[tilespmem:s24+$0x2F0] =	vst v3;
	v3 =	vmul.f32 v53, v55  }
0x62: {  	v60 =	vld [tilespmem:s24+$0x370];
	[tilespmem:s24+$0x300] =	vst v2;
	v2 =	vmul.f32 v54, v55  }
0x63: {  	v61 =	vld [tilespmem:s24+$0x380];
	[tilespmem:s24+$0x310] =	vst v3;
	v3 =	vmul.f32 v56, v55  }
0x64: {  	v62 =	vld [tilespmem:s24+$0x390];
	[tilespmem:s24+$0x320] =	vst v2;
	v2 =	vmul.f32 v57, v55  }
0x65: {  	v63 =	vld [tilespmem:s24+$0x3A0];
	[tilespmem:s24+$0x330] =	vst v3;
	v3 =	vmul.f32 v58, v55  }
0x66: {  	v13 =	vld [tilespmem:s24+$0x3B0];
	v12 =	vbroadcast v1, $0x4;
	[tilespmem:s24+$0x340] =	vst v2;
	v2 =	vmul.f32 v59, v55  }
0x67: {  	v14 =	vld [tilespmem:s24+$0x3C0];
	[tilespmem:s24+$0x350] =	vst v3;
	v3 =	vmul.f32 v60, v55  }
0x68: {  	v15 =	vld [tilespmem:s24+$0x3D0];
	[tilespmem:s24+$0x360] =	vst v2;
	v2 =	vmul.f32 v61, v12  }
0x69: {  	v16 =	vld [tilespmem:s24+$0x3E0];
	[tilespmem:s24+$0x370] =	vst v3;
	v3 =	vmul.f32 v62, v12  }
0x6a: {  	v17 =	vld [tilespmem:s24+$0x3F0];
	[tilespmem:s24+$0x380] =	vst v2;
	v2 =	vmul.f32 v63, v12  }
0x6b: {  	v18 =	vld [tilespmem:s24+$0x400];
	[tilespmem:s24+$0x390] =	vst v3;
	v3 =	vmul.f32 v13, v12  }
0x6c: {  	v19 =	vld [tilespmem:s24+$0x410];
	[tilespmem:s24+$0x3A0] =	vst v2;
	v2 =	vmul.f32 v14, v12  }
0x6d: {  	v20 =	vld [tilespmem:s24+$0x420];
	[tilespmem:s24+$0x3B0] =	vst v3;
	v3 =	vmul.f32 v15, v12  }
0x6e: {  	v22 =	vld [tilespmem:s24+$0x430];
	v21 =	vbroadcast v1, $0x5;
	[tilespmem:s24+$0x3C0] =	vst v2;
	v2 =	vmul.f32 v16, v12  }
0x6f: {  	v23 =	vld [tilespmem:s24+$0x440];
	[tilespmem:s24+$0x3D0] =	vst v3;
	v3 =	vmul.f32 v17, v12  }
0x70: {  	v24 =	vld [tilespmem:s24+$0x450];
	[tilespmem:s24+$0x3E0] =	vst v2;
	v2 =	vmul.f32 v18, v21  }
0x71: {  	v25 =	vld [tilespmem:s24+$0x460];
	[tilespmem:s24+$0x3F0] =	vst v3;
	v3 =	vmul.f32 v19, v21  }
0x72: {  	v26 =	vld [tilespmem:s24+$0x470];
	[tilespmem:s24+$0x400] =	vst v2;
	v2 =	vmul.f32 v20, v21  }
0x73: {  	v27 =	vld [tilespmem:s24+$0x480];
	[tilespmem:s24+$0x410] =	vst v3;
	v3 =	vmul.f32 v22, v21  }
0x74: {  	v28 =	vld [tilespmem:s24+$0x490];
	[tilespmem:s24+$0x420] =	vst v2;
	v2 =	vmul.f32 v23, v21  }
0x75: {  	v29 =	vld [tilespmem:s24+$0x4A0];
	[tilespmem:s24+$0x430] =	vst v3;
	v3 =	vmul.f32 v24, v21  }
0x76: {  	v31 =	vld [tilespmem:s24+$0x4B0];
	v30 =	vbroadcast v1, $0x6;
	[tilespmem:s24+$0x440] =	vst v2;
	v2 =	vmul.f32 v25, v21  }
0x77: {  	v32 =	vld [tilespmem:s24+$0x4C0];
	[tilespmem:s24+$0x450] =	vst v3;
	v3 =	vmul.f32 v26, v21  }
0x78: {  	v33 =	vld [tilespmem:s24+$0x4D0];
	[tilespmem:s24+$0x460] =	vst v2;
	v2 =	vmul.f32 v27, v30  }
0x79: {  	v34 =	vld [tilespmem:s24+$0x4E0];
	[tilespmem:s24+$0x470] =	vst v3;
	v3 =	vmul.f32 v28, v30  }
0x7a: {  	v35 =	vld [tilespmem:s24+$0x4F0];
	[tilespmem:s24+$0x480] =	vst v2;
	v2 =	vmul.f32 v29, v30  }
0x7b: {  	v36 =	vld [tilespmem:s24+$0x500];
	[tilespmem:s24+$0x490] =	vst v3;
	v3 =	vmul.f32 v31, v30  }
0x7c: {  	v37 =	vld [tilespmem:s24+$0x510];
	[tilespmem:s24+$0x4A0] =	vst v2;
	v2 =	vmul.f32 v32, v30  }
0x7d: {  	v38 =	vld [tilespmem:s24+$0x520];
	[tilespmem:s24+$0x4B0] =	vst v3;
	v3 =	vmul.f32 v33, v30  }
0x7e: {  	v39 =	vbroadcast v1, $0x7;
	v40 =	vld [tilespmem:s24+$0x530];
	[tilespmem:s24+$0x4C0] =	vst v2;
	v2 =	vmul.f32 v34, v30  }
0x7f: {  	v41 =	vld [tilespmem:s24+$0x540];
	[tilespmem:s24+$0x4D0] =	vst v3;
	v3 =	vmul.f32 v35, v30  }
0x80: {  	v42 =	vld [tilespmem:s24+$0x550];
	[tilespmem:s24+$0x4E0] =	vst v2;
	v2 =	vmul.f32 v36, v39  }
0x81: {  	v43 =	vld [tilespmem:s24+$0x560];
	[tilespmem:s24+$0x4F0] =	vst v3;
	v3 =	vmul.f32 v37, v39  }
0x82: {  	v44 =	vld [tilespmem:s24+$0x570];
	[tilespmem:s24+$0x500] =	vst v2;
	v2 =	vmul.f32 v38, v39  }
0x83: {  	v45 =	vld [tilespmem:s24+$0x580];
	[tilespmem:s24+$0x510] =	vst v3;
	v3 =	vmul.f32 v40, v39  }
0x84: {  	v46 =	vld [tilespmem:s24+$0x590];
	[tilespmem:s24+$0x520] =	vst v2;
	v2 =	vmul.f32 v41, v39  }
0x85: {  	v47 =	vld [tilespmem:s24+$0x5A0];
	[tilespmem:s24+$0x530] =	vst v3;
	v3 =	vmul.f32 v42, v39  }
0x86: {  	v48 =	vbroadcast v1, $0x8;
	v49 =	vld [tilespmem:s24+$0x5B0];
	[tilespmem:s24+$0x540] =	vst v2;
	v2 =	vmul.f32 v43, v39  }
0x87: {  	v50 =	vld [tilespmem:s24+$0x5C0];
	[tilespmem:s24+$0x550] =	vst v3;
	v3 =	vmul.f32 v44, v39  }
0x88: {  	v51 =	vld [tilespmem:s24+$0x5D0];
	[tilespmem:s24+$0x560] =	vst v2;
	v2 =	vmul.f32 v45, v48  }
0x89: {  	v52 =	vld [tilespmem:s24+$0x5E0];
	[tilespmem:s24+$0x570] =	vst v3;
	v3 =	vmul.f32 v46, v48  }
0x8a: {  	v53 =	vld [tilespmem:s24+$0x5F0];
	[tilespmem:s24+$0x580] =	vst v2;
	v2 =	vmul.f32 v47, v48  }
0x8b: {  	v54 =	vld [tilespmem:s24+$0x600];
	[tilespmem:s24+$0x590] =	vst v3;
	v3 =	vmul.f32 v49, v48  }
0x8c: {  	v55 =	vld [tilespmem:s24+$0x610];
	[tilespmem:s24+$0x5A0] =	vst v2;
	v2 =	vmul.f32 v50, v48  }
0x8d: {  	v56 =	vld [tilespmem:s24+$0x620];
	[tilespmem:s24+$0x5B0] =	vst v3;
	v3 =	vmul.f32 v51, v48  }
0x8e: {  	v57 =	vbroadcast v1, $0x9;
	v58 =	vld [tilespmem:s24+$0x630];
	[tilespmem:s24+$0x5C0] =	vst v2;
	v2 =	vmul.f32 v52, v48  }
0x8f: {  	v59 =	vld [tilespmem:s24+$0x640];
	[tilespmem:s24+$0x5D0] =	vst v3;
	v3 =	vmul.f32 v53, v48  }
0x90: {  	v60 =	vld [tilespmem:s24+$0x650];
	[tilespmem:s24+$0x5E0] =	vst v2;
	v2 =	vmul.f32 v54, v57  }
0x91: {  	v61 =	vld [tilespmem:s24+$0x660];
	[tilespmem:s24+$0x5F0] =	vst v3;
	v3 =	vmul.f32 v55, v57  }
0x92: {  	v62 =	vld [tilespmem:s24+$0x670];
	[tilespmem:s24+$0x600] =	vst v2;
	v2 =	vmul.f32 v56, v57  }
0x93: {  	v63 =	vld [tilespmem:s24+$0x680];
	[tilespmem:s24+$0x610] =	vst v3;
	v3 =	vmul.f32 v58, v57  }
0x94: {  	v12 =	vld [tilespmem:s24+$0x690];
	[tilespmem:s24+$0x620] =	vst v2;
	v2 =	vmul.f32 v59, v57  }
0x95: {  	v13 =	vld [tilespmem:s24+$0x6A0];
	[tilespmem:s24+$0x630] =	vst v3;
	v3 =	vmul.f32 v60, v57  }
0x96: {  	v14 =	vbroadcast v1, $0xA;
	v15 =	vld [tilespmem:s24+$0x6B0];
	[tilespmem:s24+$0x640] =	vst v2;
	v2 =	vmul.f32 v61, v57  }
0x97: {  	v16 =	vld [tilespmem:s24+$0x6C0];
	[tilespmem:s24+$0x650] =	vst v3;
	v3 =	vmul.f32 v62, v57  }
0x98: {  	v17 =	vld [tilespmem:s24+$0x6D0];
	[tilespmem:s24+$0x660] =	vst v2;
	v2 =	vmul.f32 v63, v14  }
0x99: {  	v18 =	vld [tilespmem:s24+$0x6E0];
	[tilespmem:s24+$0x670] =	vst v3;
	v3 =	vmul.f32 v12, v14  }
0x9a: {  	v19 =	vld [tilespmem:s24+$0x6F0];
	[tilespmem:s24+$0x680] =	vst v2;
	v2 =	vmul.f32 v13, v14  }
0x9b: {  	v20 =	vld [tilespmem:s24+$0x700];
	[tilespmem:s24+$0x690] =	vst v3;
	v3 =	vmul.f32 v15, v14  }
0x9c: {  	v21 =	vld [tilespmem:s24+$0x710];
	[tilespmem:s24+$0x6A0] =	vst v2;
	v2 =	vmul.f32 v16, v14  }
0x9d: {  	v22 =	vld [tilespmem:s24+$0x720];
	[tilespmem:s24+$0x6B0] =	vst v3;
	v3 =	vmul.f32 v17, v14  }
0x9e: {  	v23 =	vbroadcast v1, $0xB;
	v24 =	vld [tilespmem:s24+$0x730];
	[tilespmem:s24+$0x6C0] =	vst v2;
	v2 =	vmul.f32 v18, v14  }
0x9f: {  	v25 =	vld [tilespmem:s24+$0x740];
	[tilespmem:s24+$0x6D0] =	vst v3;
	v3 =	vmul.f32 v19, v14  }
0xa0: {  	v26 =	vld [tilespmem:s24+$0x750];
	[tilespmem:s24+$0x6E0] =	vst v2;
	v2 =	vmul.f32 v20, v23  }
0xa1: {  	v27 =	vld [tilespmem:s24+$0x760];
	[tilespmem:s24+$0x6F0] =	vst v3;
	v3 =	vmul.f32 v21, v23  }
0xa2: {  	v28 =	vld [tilespmem:s24+$0x770];
	[tilespmem:s24+$0x700] =	vst v2;
	v2 =	vmul.f32 v22, v23  }
0xa3: {  	v29 =	vld [tilespmem:s24+$0x780];
	[tilespmem:s24+$0x710] =	vst v3;
	v3 =	vmul.f32 v24, v23  }
0xa4: {  	v30 =	vld [tilespmem:s24+$0x790];
	[tilespmem:s24+$0x720] =	vst v2;
	v2 =	vmul.f32 v25, v23  }
0xa5: {  	v31 =	vld [tilespmem:s24+$0x7A0];
	[tilespmem:s24+$0x730] =	vst v3;
	v3 =	vmul.f32 v26, v23  }
0xa6: {  	v32 =	vbroadcast v1, $0xC;
	v33 =	vld [tilespmem:s24+$0x7B0];
	[tilespmem:s24+$0x740] =	vst v2;
	v2 =	vmul.f32 v27, v23  }
0xa7: {  	v34 =	vld [tilespmem:s24+$0x7C0];
	[tilespmem:s24+$0x750] =	vst v3;
	v3 =	vmul.f32 v28, v23  }
0xa8: {  	v35 =	vld [tilespmem:s24+$0x7D0];
	[tilespmem:s24+$0x760] =	vst v2;
	v2 =	vmul.f32 v29, v32  }
0xa9: {  	v36 =	vld [tilespmem:s24+$0x7E0];
	[tilespmem:s24+$0x770] =	vst v3;
	v3 =	vmul.f32 v30, v32  }
0xaa: {  	v37 =	vld [tilespmem:s24+$0x7F0];
	[tilespmem:s24+$0x780] =	vst v2;
	v2 =	vmul.f32 v31, v32  }
0xab: {  	v38 =	vld [tilespmem:s24+$0x800];
	[tilespmem:s24+$0x790] =	vst v3;
	v3 =	vmul.f32 v33, v32  }
0xac: {  	v39 =	vld [tilespmem:s24+$0x810];
	[tilespmem:s24+$0x7A0] =	vst v2;
	v2 =	vmul.f32 v34, v32  }
0xad: {  	v40 =	vld [tilespmem:s24+$0x820];
	[tilespmem:s24+$0x7B0] =	vst v3;
	v3 =	vmul.f32 v35, v32  }
0xae: {  	v41 =	vbroadcast v1, $0xD;
	v42 =	vld [tilespmem:s24+$0x830];
	[tilespmem:s24+$0x7C0] =	vst v2;
	v2 =	vmul.f32 v36, v32  }
0xaf: {  	v43 =	vld [tilespmem:s24+$0x840];
	[tilespmem:s24+$0x7D0] =	vst v3;
	v3 =	vmul.f32 v37, v32  }
0xb0: {  	v44 =	vld [tilespmem:s24+$0x850];
	[tilespmem:s24+$0x7E0] =	vst v2;
	v2 =	vmul.f32 v38, v41  }
0xb1: {  	v45 =	vld [tilespmem:s24+$0x860];
	[tilespmem:s24+$0x7F0] =	vst v3;
	v3 =	vmul.f32 v39, v41  }
0xb2: {  	v46 =	vld [tilespmem:s24+$0x870];
	[tilespmem:s24+$0x800] =	vst v2;
	v2 =	vmul.f32 v40, v41  }
0xb3: {  	v47 =	vld [tilespmem:s24+$0x880];
	[tilespmem:s24+$0x810] =	vst v3;
	v3 =	vmul.f32 v42, v41  }
0xb4: {  	v48 =	vld [tilespmem:s24+$0x890];
	[tilespmem:s24+$0x820] =	vst v2;
	v2 =	vmul.f32 v43, v41  }
0xb5: {  	v49 =	vld [tilespmem:s24+$0x8A0];
	[tilespmem:s24+$0x830] =	vst v3;
	v3 =	vmul.f32 v44, v41  }
0xb6: {  	v50 =	vbroadcast v1, $0xE;
	v51 =	vld [tilespmem:s24+$0x8B0];
	[tilespmem:s24+$0x840] =	vst v2;
	v2 =	vmul.f32 v45, v41  }
0xb7: {  	v52 =	vld [tilespmem:s24+$0x8C0];
	[tilespmem:s24+$0x850] =	vst v3;
	v3 =	vmul.f32 v46, v41  }
0xb8: {  	v53 =	vld [tilespmem:s24+$0x8D0];
	[tilespmem:s24+$0x860] =	vst v2;
	v2 =	vmul.f32 v47, v50  }
0xb9: {  	v54 =	vld [tilespmem:s24+$0x8E0];
	[tilespmem:s24+$0x870] =	vst v3;
	v3 =	vmul.f32 v48, v50  }
0xba: {  	v55 =	vld [tilespmem:s24+$0x8F0];
	[tilespmem:s24+$0x880] =	vst v2;
	v2 =	vmul.f32 v49, v50  }
0xbb: {  	v56 =	vld [tilespmem:s24+$0x900];
	[tilespmem:s24+$0x890] =	vst v3;
	v3 =	vmul.f32 v51, v50  }
0xbc: {  	v57 =	vld [tilespmem:s24+$0x910];
	[tilespmem:s24+$0x8A0] =	vst v2;
	v2 =	vmul.f32 v52, v50  }
0xbd: {  	v58 =	vld [tilespmem:s24+$0x920];
	[tilespmem:s24+$0x8B0] =	vst v3;
	v3 =	vmul.f32 v53, v50  }
0xbe: {  	v1 =	vbroadcast v1, $0xF;
	v59 =	vld [tilespmem:s24+$0x930];
	[tilespmem:s24+$0x8C0] =	vst v2;
	v2 =	vmul.f32 v54, v50  }
0xbf: {  	v60 =	vld [tilespmem:s24+$0x940];
	[tilespmem:s24+$0x8D0] =	vst v3;
	v3 =	vmul.f32 v55, v50  }
0xc0: {  	v61 =	vld [tilespmem:s24+$0x950];
	[tilespmem:s24+$0x8E0] =	vst v2;
	v2 =	vmul.f32 v56, v1  }
0xc1: {  	v62 =	vld [tilespmem:s24+$0x960];
	[tilespmem:s24+$0x8F0] =	vst v3;
	v3 =	vmul.f32 v57, v1  }
0xc2: {  	v63 =	vld [tilespmem:s24+$0x970];
	[tilespmem:s24+$0x900] =	vst v2;
	v2 =	vmul.f32 v58, v1  }
0xc3: {  	[tilespmem:s24+$0x910] =	vst v3;
	v3 =	vmul.f32 v59, v1  }
0xc4: {  	p0 =	sne.s32 s23, $0x7;
	[tilespmem:s24+$0x920] =	vst v2;
	v2 =	vmul.f32 v60, v1  }
.Ltmp1:
0xc5: {  	[tilespmem:s24+$0x930] =	vst v3;
	v3 =	vmul.f32 v61, v1;
	(pc) =	sbr.rel @p0 .LBB2_5-.Ltmp1, $4  }
0xc6: {  	[tilespmem:s24+$0x940] =	vst v2;
	v2 =	vmul.f32 v62, v1  }
0xc7: {  	[tilespmem:s24+$0x950] =	vst v3;
	v1 =	vmul.f32 v63, v1  }
0xc8: {  	[tilespmem:s24+$0x960] =	vst v2  }
0xc9: {  	s23 =	sadd.s32 $0x1, s23;
	[tilespmem:s24+$0x970] =	vst v1  }
0xca: {  	s22 =	sadd.s32 $0x1, s22  }
0xcb: {  	p0 =	sne.s32 s22, $0x52  }
.Ltmp2:
0xcc: {  	_ = 	snop;
	(pc) =	sbr.rel @p0 .LBB2_4-.Ltmp2, $4  }
0xcd: {  	[spmem:s1] =	stream.indirect.scatter.add.f32 [tilespmem:s13], [sflag:$0x3], $0x80, s15, s15, $0xb8;
	[tilespmem:$0xC180] =	vst v63  }
0xce: {  	_ =	swait.ge [sflag:s14], $0x4000  }
0xcf: {  	[sflag:s14] =	ssyncset.done $0x0  }
0xd0: {  	[sflag:s14] =	ssyncadd.s32 $0xFFFFC000  }
0xd1: {  	s2 =	sadd.s32 $0x1, s2  }
0xd2: {  	p0 =	sne.s32 s2, s11  }
.Ltmp3:
0xd3: {  	[bflag:$0x0] =	sbarrier.arrive $0xFFFF;
	(pc) =	sbr.rel @p0 .LBB2_1-.Ltmp3, $4  }
0xd4: {  	[hbm:s12], [sflag:s19] =	dma.local [spmem:s20], $0x1000  }
0xd5: {  	_ =	swait.ge [sflag:s14], $0x1000  }
0xd6: {  	[sflag:s14] =	ssyncset.done $0x0  }
0xd7: {  	[sflag:s14] =	ssyncadd.s32 $0xFFFFF000  }
0xd8: {  	_ =	sfence.sel $0x180000  }
0xd9: {  	[bflag:$0x0] =	sbarrier.arrive $0xFFFF  }
0xda: {  	p0 =	sne.s32 s4, $0x0;
	_ =	strace $0x90000047  }
0xdb: {  	s0 =	sadd.s32 @!p0 $0x100000, s0;
	[bflag:$0x2] =	sbarrier.arrive $0xFFFF  }
0xdc: {  	[sflag:s0] =	ssyncadd.tile.s32 @!p0 $0x1;
	_ =	shalt  }
.Lfunc_end2:
_tile_overlayer_lowered:
.L_overlay_start_2:
0xdd: {  	(tag) =	ssettag $0x2  }
0xde: {  	s0 =	rddreg [dreg:$0x0];
	s2 =	stileid.u32  }
0xdf: {  	s1 =	rddreg [dreg:$0x1];
	p0 =	sne.s32 s2, $0x0  }
0xe0: {  	s3 =	rddreg [dreg:$0x2];
	[bflag:$0x3] =	sbarrier.arrive $0xFFFF;
	s2 =	simm.s32 @!p0 $0x1C03  }
0xe1: {  	[timem:s3], [sflag:s2] =	dma.local @!p0 [hbm:s0], s1  }
0xe2: {  	s0 =	simm.s32 @!p0 $0x3  }
0xe3: {  	_ =	swait.ge @!p0 [sflag:s0], s1  }
0xe4: {  	s1 =	ssub.s32 @!p0 $0x0, s1;
	[sflag:s0] =	ssyncset.done @!p0 $0x0  }
0xe5: {  	[sflag:s0] =	ssyncadd.s32 @!p0 s1  }
0xe6: {  	[bflag:$0x3] =	sbarrier.arrive $0xFFFF  }
0xe7: {  	_ =	shalt  }

</sc_bundles>
